<compile_context>
chip_gen: v7x
topology: tpu7x:2x2x1
jax: 0.10.2.dev20260603
libtpu: 0.0.44.dev20260713+nightly
codegen_flags: <defaults>
</compile_context>

<pallas_src>
import functools
import jax
import jax.numpy as jnp
from jax import lax
from jax.experimental import pallas as pl
from jax.experimental.pallas import tpu as pltpu
from jax.experimental.pallas import tpu_sc as plsc


@functools.lru_cache(maxsize=None)
def _make_gather(B, H, D, NC, NS):
    NW = NC * NS
    b_per_w = B // NW
    n_per_w = b_per_w * H
    chunk = b_per_w
    n_chunks = H
    TRD = D // 8
    TCB = b_per_w // 128
    mesh = plsc.VectorSubcoreMesh(core_axis_name="c", subcore_axis_name="s")

    @functools.partial(
        pl.kernel,
        mesh=mesh,
        out_type=jax.ShapeDtypeStruct((H, TRD, B // 128, 8, 128), jnp.float32),
        scratch_types=[
            pltpu.VMEM((n_per_w,), jnp.int32),
            pltpu.VMEM((n_per_w,), jnp.int32),
            pltpu.VMEM((2, chunk, D), jnp.float32),
            pltpu.VMEM((2, TRD, TCB, 8, 128), jnp.float32),
            pltpu.SemaphoreType.DMA,
            pltpu.SemaphoreType.DMA,
            pltpu.SemaphoreType.DMA,
            pltpu.SemaphoreType.DMA,
        ],
        compiler_params=pltpu.CompilerParams(
            use_tc_tiling_on_sc=False, needs_layout_passes=False,
            disable_bounds_checks=True),
    )
    def k(xf_hbm, table_hbm, out_hbm, xv, idx_t, rows_v, tbuf, sg0, sg1, st0, st1):
        wid = lax.axis_index("s") * NC + lax.axis_index("c")
        b_base = wid * b_per_w
        sem_g = [sg0, sg1]
        sem_t = [st0, st1]

        pltpu.sync_copy(xf_hbm.at[pl.ds(b_base * H, n_per_w)], xv)

        def compact(g, carry):
            v = lax.iota(jnp.int32, 16) + g * 16
            t = plsc.load_gather(xv, [(v % b_per_w) * H + v // b_per_w])
            idx_t[pl.ds(g * 16, 16)] = t
            return carry

        lax.fori_loop(0, n_per_w // 16, compact, 0)

        def gather_desc(c, pb):
            return pltpu.make_async_copy(
                table_hbm.at[idx_t.at[pl.ds(c * chunk, chunk)]],
                rows_v.at[pb], sem_g[pb])

        def store_desc(h, tb):
            return pltpu.make_async_copy(
                tbuf.at[tb],
                out_hbm.at[h].at[:, pl.ds(wid * TCB, TCB)], sem_t[tb])

        def drain_t(tb):
            pltpu.make_async_copy(
                out_hbm.at[0].at[:, pl.ds(0, TCB)], tbuf.at[tb],
                sem_t[tb]).wait()

        trv0 = lax.iota(jnp.int32, 16) // 8
        sv = lax.iota(jnp.int32, 16) % 8
        trv1 = trv0 + 2

        def transpose_chunk(h, pb, guard):
            if guard is None:
                drain_t(pb)
            else:
                @pl.when(guard)
                def _():
                    drain_t(pb)

            def one_j(j0, carry):
                for dj in range(4):
                    j = j0 * 4 + dj
                    lv = jnp.full((16,), 0, jnp.int32) + j
                    for tc in range(TCB):
                        tcv = jnp.full((16,), tc, jnp.int32)
                        r = tc * 128 + j
                        a = rows_v[pb, r, pl.ds(0, 16)]
                        bvec = rows_v[pb, r, pl.ds(16, 16)]
                        plsc.store_scatter(tbuf.at[pb], [trv0, tcv, sv, lv], a)
                        plsc.store_scatter(tbuf.at[pb], [trv1, tcv, sv, lv], bvec)
                return carry

            lax.fori_loop(0, 128 // 4, one_j, 0)
            store_desc(h, pb).start()

        gather_desc(0, 0).start()

        def pair(i, carry):
            c0 = i * 2
            c1 = c0 + 1
            gather_desc(c0, 0).wait()
            gather_desc(c1, 1).start()
            transpose_chunk(c0, 0, i > 0)
            gather_desc(c1, 1).wait()

            @pl.when(i < n_chunks // 2 - 1)
            def _():
                gather_desc(c0 + 2, 0).start()

            transpose_chunk(c1, 1, i > 0)
            return carry

        lax.fori_loop(0, n_chunks // 2, pair, 0)
        drain_t(0)
        drain_t(1)

    return k


def kernel(X, table):
    B, H = X.shape
    V, D = table.shape
    info = plsc.get_sparse_core_info()
    z = lax.shift_right_logical(X[0, 0], 31).astype(X.dtype)
    xf = X.reshape(-1) + z
    out5 = _make_gather(B, H, D, info.num_cores, info.num_subcores)(xf, table)
    return jnp.transpose(out5, (2, 4, 0, 1, 3)).reshape(B, H, D)

# --- scband reference (transcript-rebuilt; emitter-appended) ---
"""Pipeline reference for scband-conv-word-embedding-46359876993331 (READ-ONLY COPY).

The authoritative reference and input builder live on the scoring server;
editing this copy changes nothing except your own understanding.
"""

import jax, jax.numpy as jnp
import numpy as np

VOCAB = 1000000
EMBED = 32
BATCH = 16384
HIST = 50

def setup_inputs(seed: int = 0) -> dict:
    key = jax.random.key(seed)
    k1, k2 = jax.random.split(key)
    X = jax.random.randint(k1, (BATCH, HIST), 0, VOCAB, dtype=jnp.int64 if jax.config.jax_enable_x64 else jnp.int32)
    table = jax.random.normal(k2, (VOCAB, EMBED), dtype=jnp.float32)
    return {"X": X, "table": table}

def reference(X, table):
    # nn.Embedding forward: gather rows of the embedding table
    return jnp.take(table, X, axis=0)

if __name__ == "__main__":
    import jax
    _d = setup_inputs()
    print(jax.jit(kernel)(*tuple(_d.values())))

</pallas_src>

<mosaic_0001>
#map = affine_map<(d0, d1) -> (0)>
#map1 = affine_map<(d0, d1) -> (0, 0)>
#map2 = affine_map<(d0, d1) -> (0, 0, 0, 0, 0)>
module attributes {stable_mosaic.version = 14 : i64} {
  func.func @k(%arg0: i32, %arg1: i32, %arg2: memref<819200xi32, #tpu.memory_space<hbm>>, %arg3: memref<1000000x32xf32, #tpu.memory_space<hbm>>, %arg4: memref<50x4x128x8x128xf32, #tpu.memory_space<hbm>>, %arg5: memref<25600xi32, #tpu.memory_space<vmem>>, %arg6: memref<25600xi32, #tpu.memory_space<vmem>>, %arg7: memref<2x512x32xf32, #tpu.memory_space<vmem>>, %arg8: memref<2x4x4x8x128xf32, #tpu.memory_space<vmem>>, %arg9: memref<!tpu.dma_semaphore, #tpu.memory_space<semaphore_mem>>, %arg10: memref<!tpu.dma_semaphore, #tpu.memory_space<semaphore_mem>>, %arg11: memref<!tpu.dma_semaphore, #tpu.memory_space<semaphore_mem>>, %arg12: memref<!tpu.dma_semaphore, #tpu.memory_space<semaphore_mem>>) attributes {dimension_semantics = [#tpu.dimension_semantics<core_parallel>, #tpu.dimension_semantics<subcore_parallel>], iteration_bounds = array<i64: 2, 16>, scalar_prefetch = 0 : i64, scratch_operands = 8 : i64, tpu.core_type = #tpu.core_type<sc_vector_subcore>, window_params = [{transform_indices = #map}, {transform_indices = #map1}, {transform_indices = #map2}]} {
    %mul3A = arith.constant 2 : i32
    %mul3A_0 = arith.muli %arg1, %mul3A : i32
    %add3A = arith.addi %mul3A_0, %arg0 : i32
    %mul3A_1 = arith.constant 512 : i32
    %mul3A_2 = arith.muli %add3A, %mul3A_1 : i32
    %mul3A_3 = arith.constant 50 : i32
    %mul3A_4 = arith.muli %mul3A_2, %mul3A_3 : i32
    "tpu.region"() ({
      %run_scoped3A = tpu.sem_alloc : memref<!tpu.dma_semaphore, #tpu.memory_space<semaphore_mem>>
      %dma_start3A_143 = tpu.memref_slice %arg2[%mul3A_4] : memref<819200xi32, #tpu.memory_space<hbm>> -> memref<25600xi32, #tpu.memory_space<hbm>>
      %dma_start3A_144 = tpu.memref_slice %arg2[%mul3A_4] : memref<819200xi32, #tpu.memory_space<hbm>> -> memref<25600xi32, #tpu.memory_space<hbm>>
      tpu.enqueue_dma source(%dma_start3A_144 : memref<25600xi32, #tpu.memory_space<hbm>>) target(%arg5 : memref<25600xi32, #tpu.memory_space<vmem>>) target_semaphore(%run_scoped3A : memref<!tpu.dma_semaphore, #tpu.memory_space<semaphore_mem>>)
      %dma_wait3A_145 = tpu.memref_slice %arg2[%mul3A_4] : memref<819200xi32, #tpu.memory_space<hbm>> -> memref<25600xi32, #tpu.memory_space<hbm>>
      %dma_wait3A_146 = tpu.memref_slice %arg2[%mul3A_4] : memref<819200xi32, #tpu.memory_space<hbm>> -> memref<25600xi32, #tpu.memory_space<hbm>>
      tpu.wait_dma2 semaphore(%run_scoped3A : memref<!tpu.dma_semaphore, #tpu.memory_space<semaphore_mem>>) src(%dma_wait3A_146 : memref<25600xi32, #tpu.memory_space<hbm>>) dst(%arg5 : memref<25600xi32, #tpu.memory_space<vmem>>)
      tpu.yield
    }) : () -> ()
    %scan3A = arith.constant 0 : i32
    %scan3A_5 = arith.constant 0 : i32
    %scan3A_6 = arith.constant 1600 : i32
    %scan3A_7 = arith.addi %scan3A_5, %scan3A_6 : i32
    %scan3A_8 = arith.constant 1 : i32
    scf.for %scan3A_143 = %scan3A_5 to %scan3A_7 step %scan3A_8  : i32 {
      %iota3A_144 = tpu.iota {dimensions = array<i32: 0>} : vector<16xi32>
      %mul3A_145 = arith.constant 16 : i32
      %mul3A_146 = arith.muli %scan3A_143, %mul3A_145 : i32
      %add3A_147 = vector.broadcast %mul3A_146 : i32 to vector<16xi32>
      %add3A_148 = arith.addi %iota3A_144, %add3A_147 : vector<16xi32>
      %jit3A_149 = arith.constant 512 : i32
      %eq3A_150 = arith.constant 0 : i32
      %eq3A_151 = arith.cmpi eq, %jit3A_149, %eq3A_150 : i32
      %jit3A_152 = arith.constant 1 : i32
      %select_n3A_153 = arith.select %eq3A_151, %jit3A_152, %jit3A_149 : i32
      %rem3A_154 = vector.broadcast %select_n3A_153 : i32 to vector<16xi32>
      %rem3A_155 = arith.remsi %add3A_148, %rem3A_154 : vector<16xi32>
      %ne3A_156 = arith.constant 0 : i32
      %ne3A_157 = vector.broadcast %ne3A_156 : i32 to vector<16xi32>
      %ne3A_158 = arith.cmpi ne, %rem3A_155, %ne3A_157 : vector<16xi32>
      %lt3A_159 = arith.constant 0 : i32
      %lt3A_160 = vector.broadcast %lt3A_159 : i32 to vector<16xi32>
      %lt3A_161 = arith.cmpi slt, %rem3A_155, %lt3A_160 : vector<16xi32>
      %lt3A_162 = arith.constant 0 : i32
      %lt3A_163 = arith.cmpi slt, %select_n3A_153, %lt3A_162 : i32
      %ne3A_164 = vector.broadcast %lt3A_163 : i1 to vector<16xi1>
      %ne3A_165 = vector.broadcast %ne3A_164 : vector<16xi1> to vector<16xi1>
      %ne3A_166 = arith.xori %lt3A_161, %ne3A_165 : vector<16xi1>
      %and3A_167 = arith.andi %ne3A_166, %ne3A_158 : vector<16xi1>
      %add3A_168 = vector.broadcast %select_n3A_153 : i32 to vector<16xi32>
      %add3A_169 = arith.addi %rem3A_155, %add3A_168 : vector<16xi32>
      %select_n3A_170 = arith.select %and3A_167, %add3A_169, %rem3A_155 : vector<16xi1>, vector<16xi32>
      %mul3A_171 = arith.constant 50 : i32
      %mul3A_172 = vector.broadcast %mul3A_171 : i32 to vector<16xi32>
      %mul3A_173 = arith.muli %select_n3A_170, %mul3A_172 : vector<16xi32>
      %jit3A_174 = arith.constant 512 : i32
      %div3A_175 = vector.broadcast %jit3A_174 : i32 to vector<16xi32>
      %div3A_176 = arith.divsi %add3A_148, %div3A_175 : vector<16xi32>
      %sign3A_177 = arith.constant 0 : i32
      %sign3A_178 = vector.broadcast %sign3A_177 : i32 to vector<16xi32>
      %sign3A_179 = arith.cmpi sgt, %add3A_148, %sign3A_178 : vector<16xi32>
      %sign3A_180 = arith.extui %sign3A_179 : vector<16xi1> to vector<16xi32>
      %sign3A_181 = arith.constant 0 : i32
      %sign3A_182 = vector.broadcast %sign3A_181 : i32 to vector<16xi32>
      %sign3A_183 = arith.cmpi slt, %add3A_148, %sign3A_182 : vector<16xi32>
      %sign3A_184 = arith.extui %sign3A_183 : vector<16xi1> to vector<16xi32>
      %sign3A_185 = arith.subi %sign3A_180, %sign3A_184 : vector<16xi32>
      %sign3A_186 = arith.constant 0 : i32
      %sign3A_187 = arith.cmpi sgt, %jit3A_174, %sign3A_186 : i32
      %sign3A_188 = arith.extui %sign3A_187 : i1 to i32
      %sign3A_189 = arith.constant 0 : i32
      %sign3A_190 = arith.cmpi slt, %jit3A_174, %sign3A_189 : i32
      %sign3A_191 = arith.extui %sign3A_190 : i1 to i32
      %sign3A_192 = arith.subi %sign3A_188, %sign3A_191 : i32
      %ne3A_193 = vector.broadcast %sign3A_192 : i32 to vector<16xi32>
      %ne3A_194 = arith.cmpi ne, %sign3A_185, %ne3A_193 : vector<16xi32>
      %rem3A_195 = vector.broadcast %jit3A_174 : i32 to vector<16xi32>
      %rem3A_196 = arith.remsi %add3A_148, %rem3A_195 : vector<16xi32>
      %ne3A_197 = arith.constant 0 : i32
      %ne3A_198 = vector.broadcast %ne3A_197 : i32 to vector<16xi32>
      %ne3A_199 = arith.cmpi ne, %rem3A_196, %ne3A_198 : vector<16xi32>
      %and3A_200 = arith.andi %ne3A_194, %ne3A_199 : vector<16xi1>
      %sub3A_201 = arith.constant 1 : i32
      %sub3A_202 = vector.broadcast %sub3A_201 : i32 to vector<16xi32>
      %sub3A_203 = arith.subi %div3A_176, %sub3A_202 : vector<16xi32>
      %select_n3A_204 = arith.select %and3A_200, %sub3A_203, %div3A_176 : vector<16xi1>, vector<16xi32>
      %add3A_205 = arith.addi %mul3A_173, %select_n3A_204 : vector<16xi32>
      %gather3A = tpu.vector_load_idx %arg5[%add3A_205] : memref<25600xi32, #tpu.memory_space<vmem>>[vector<16xi32>], vector<16xi32>,
      %mul3A_206 = arith.constant 16 : i32
      %mul3A_207 = arith.muli %scan3A_143, %mul3A_206 : i32
      %swap3A = arith.index_cast %mul3A_207 : i32 to index
      %swap3A_208 = tpu.vector_load %arg6[%swap3A] {strides = array<i32>} : memref<25600xi32, #tpu.memory_space<vmem>>, vector<16xi32>,
      tpu.vector_store %arg6[%swap3A], %gather3A {strides = array<i32>} : memref<25600xi32, #tpu.memory_space<vmem>>, vector<16xi32>,
    }
    %scan3A_9 = arith.constant 1600 : i32
    %iota3A = tpu.iota {dimensions = array<i32: 0>} : vector<16xi32>
    %jit3A = arith.constant 8 : i32
    %div3A = vector.broadcast %jit3A : i32 to vector<16xi32>
    %div3A_10 = arith.divsi %iota3A, %div3A : vector<16xi32>
    %sign3A = arith.constant 0 : i32
    %sign3A_11 = vector.broadcast %sign3A : i32 to vector<16xi32>
    %sign3A_12 = arith.cmpi sgt, %iota3A, %sign3A_11 : vector<16xi32>
    %sign3A_13 = arith.extui %sign3A_12 : vector<16xi1> to vector<16xi32>
    %sign3A_14 = arith.constant 0 : i32
    %sign3A_15 = vector.broadcast %sign3A_14 : i32 to vector<16xi32>
    %sign3A_16 = arith.cmpi slt, %iota3A, %sign3A_15 : vector<16xi32>
    %sign3A_17 = arith.extui %sign3A_16 : vector<16xi1> to vector<16xi32>
    %sign3A_18 = arith.subi %sign3A_13, %sign3A_17 : vector<16xi32>
    %sign3A_19 = arith.constant 0 : i32
    %sign3A_20 = arith.cmpi sgt, %jit3A, %sign3A_19 : i32
    %sign3A_21 = arith.extui %sign3A_20 : i1 to i32
    %sign3A_22 = arith.constant 0 : i32
    %sign3A_23 = arith.cmpi slt, %jit3A, %sign3A_22 : i32
    %sign3A_24 = arith.extui %sign3A_23 : i1 to i32
    %sign3A_25 = arith.subi %sign3A_21, %sign3A_24 : i32
    %ne3A = vector.broadcast %sign3A_25 : i32 to vector<16xi32>
    %ne3A_26 = arith.cmpi ne, %sign3A_18, %ne3A : vector<16xi32>
    %rem3A = vector.broadcast %jit3A : i32 to vector<16xi32>
    %rem3A_27 = arith.remsi %iota3A, %rem3A : vector<16xi32>
    %ne3A_28 = arith.constant 0 : i32
    %ne3A_29 = vector.broadcast %ne3A_28 : i32 to vector<16xi32>
    %ne3A_30 = arith.cmpi ne, %rem3A_27, %ne3A_29 : vector<16xi32>
    %and3A = arith.andi %ne3A_26, %ne3A_30 : vector<16xi1>
    %sub3A = arith.constant 1 : i32
    %sub3A_31 = vector.broadcast %sub3A : i32 to vector<16xi32>
    %sub3A_32 = arith.subi %div3A_10, %sub3A_31 : vector<16xi32>
    %select_n3A = arith.select %and3A, %sub3A_32, %div3A_10 : vector<16xi1>, vector<16xi32>
    %iota3A_33 = tpu.iota {dimensions = array<i32: 0>} : vector<16xi32>
    %jit3A_34 = arith.constant 8 : i32
    %eq3A = arith.constant 0 : i32
    %eq3A_35 = arith.cmpi eq, %jit3A_34, %eq3A : i32
    %jit3A_36 = arith.constant 1 : i32
    %select_n3A_37 = arith.select %eq3A_35, %jit3A_36, %jit3A_34 : i32
    %rem3A_38 = vector.broadcast %select_n3A_37 : i32 to vector<16xi32>
    %rem3A_39 = arith.remsi %iota3A_33, %rem3A_38 : vector<16xi32>
    %ne3A_40 = arith.constant 0 : i32
    %ne3A_41 = vector.broadcast %ne3A_40 : i32 to vector<16xi32>
    %ne3A_42 = arith.cmpi ne, %rem3A_39, %ne3A_41 : vector<16xi32>
    %lt3A = arith.constant 0 : i32
    %lt3A_43 = vector.broadcast %lt3A : i32 to vector<16xi32>
    %lt3A_44 = arith.cmpi slt, %rem3A_39, %lt3A_43 : vector<16xi32>
    %lt3A_45 = arith.constant 0 : i32
    %lt3A_46 = arith.cmpi slt, %select_n3A_37, %lt3A_45 : i32
    %ne3A_47 = vector.broadcast %lt3A_46 : i1 to vector<16xi1>
    %ne3A_48 = vector.broadcast %ne3A_47 : vector<16xi1> to vector<16xi1>
    %ne3A_49 = arith.xori %lt3A_44, %ne3A_48 : vector<16xi1>
    %and3A_50 = arith.andi %ne3A_49, %ne3A_42 : vector<16xi1>
    %add3A_51 = vector.broadcast %select_n3A_37 : i32 to vector<16xi32>
    %add3A_52 = arith.addi %rem3A_39, %add3A_51 : vector<16xi32>
    %select_n3A_53 = arith.select %and3A_50, %add3A_52, %rem3A_39 : vector<16xi1>, vector<16xi32>
    %add3A_54 = arith.constant 2 : i32
    %add3A_55 = vector.broadcast %add3A_54 : i32 to vector<16xi32>
    %add3A_56 = arith.addi %select_n3A, %add3A_55 : vector<16xi32>
    %dma_start3A = arith.constant 0 : i32
    %dma_start3A_57 = arith.constant 0 : i32
    %dma_start3A_58 = arith.constant 0 : i32
    %dma_start3A_59 = tpu.memref_slice %arg7[%dma_start3A, %dma_start3A_57, %dma_start3A_58] : memref<2x512x32xf32, #tpu.memory_space<vmem>> -> memref<1x512x32xf32, #tpu.memory_space<vmem>>
    %dma_start3A_60 = tpu.memref_squeeze %dma_start3A_59 : memref<1x512x32xf32, #tpu.memory_space<vmem>> -> memref<512x32xf32, #tpu.memory_space<vmem>>
    %dma_start3A_61 = arith.constant 0 : i32
    %dma_start3A_62 = tpu.memref_slice %arg6[%dma_start3A_61] : memref<25600xi32, #tpu.memory_space<vmem>> -> memref<512xi32, #tpu.memory_space<vmem>>
    %dma_start3A_63 = arith.constant 0 : i32
    %dma_start3A_64 = arith.constant 0 : i32
    %dma_start3A_65 = tpu.memref_slice %arg3[%dma_start3A_63, %dma_start3A_64] : memref<1000000x32xf32, #tpu.memory_space<hbm>> -> memref<1000000x32xf32, #tpu.memory_space<hbm>>
    tpu.enqueue_indirect_dma source(%dma_start3A_65 : memref<1000000x32xf32, #tpu.memory_space<hbm>>) target(%dma_start3A_60 : memref<512x32xf32, #tpu.memory_space<vmem>>) offsets(%dma_start3A_62 : memref<512xi32, #tpu.memory_space<vmem>>) semaphore(%arg9 : memref<!tpu.dma_semaphore, #tpu.memory_space<semaphore_mem>>)
    %scan3A_66 = arith.constant 0 : i32
    %scan3A_67 = arith.constant 0 : i32
    %scan3A_68 = arith.constant 25 : i32
    %scan3A_69 = arith.addi %scan3A_67, %scan3A_68 : i32
    %scan3A_70 = arith.constant 1 : i32
    scf.for %scan3A_143 = %scan3A_67 to %scan3A_69 step %scan3A_70  : i32 {
      %mul3A_144 = arith.constant 2 : i32
      %mul3A_145 = arith.muli %scan3A_143, %mul3A_144 : i32
      %add3A_146 = arith.constant 1 : i32
      %add3A_147 = arith.addi %mul3A_145, %add3A_146 : i32
      %mul3A_148 = arith.constant 512 : i32
      %mul3A_149 = arith.muli %mul3A_145, %mul3A_148 : i32
      %dma_wait3A_150 = arith.constant 0 : i32
      %dma_wait3A_151 = arith.constant 0 : i32
      %dma_wait3A_152 = arith.constant 0 : i32
      %dma_wait3A_153 = tpu.memref_slice %arg7[%dma_wait3A_150, %dma_wait3A_151, %dma_wait3A_152] : memref<2x512x32xf32, #tpu.memory_space<vmem>> -> memref<1x512x32xf32, #tpu.memory_space<vmem>>
      %dma_wait3A_154 = tpu.memref_squeeze %dma_wait3A_153 : memref<1x512x32xf32, #tpu.memory_space<vmem>> -> memref<512x32xf32, #tpu.memory_space<vmem>>
      %dma_wait3A_155 = tpu.memref_slice %arg6[%mul3A_149] : memref<25600xi32, #tpu.memory_space<vmem>> -> memref<512xi32, #tpu.memory_space<vmem>>
      %dma_wait3A_156 = arith.constant 0 : i32
      %dma_wait3A_157 = arith.constant 0 : i32
      %dma_wait3A_158 = tpu.memref_slice %arg3[%dma_wait3A_156, %dma_wait3A_157] : memref<1000000x32xf32, #tpu.memory_space<hbm>> -> memref<1000000x32xf32, #tpu.memory_space<hbm>>
      tpu.wait_indirect_dma semaphore(%arg9 : memref<!tpu.dma_semaphore, #tpu.memory_space<semaphore_mem>>) src(%dma_wait3A_158 : memref<1000000x32xf32, #tpu.memory_space<hbm>>) dst(%dma_wait3A_154 : memref<512x32xf32, #tpu.memory_space<vmem>>)
      %mul3A_159 = arith.constant 512 : i32
      %mul3A_160 = arith.muli %add3A_147, %mul3A_159 : i32
      %dma_start3A_161 = arith.constant 1 : i32
      %dma_start3A_162 = arith.constant 0 : i32
      %dma_start3A_163 = arith.constant 0 : i32
      %dma_start3A_164 = tpu.memref_slice %arg7[%dma_start3A_161, %dma_start3A_162, %dma_start3A_163] : memref<2x512x32xf32, #tpu.memory_space<vmem>> -> memref<1x512x32xf32, #tpu.memory_space<vmem>>
      %dma_start3A_165 = tpu.memref_squeeze %dma_start3A_164 : memref<1x512x32xf32, #tpu.memory_space<vmem>> -> memref<512x32xf32, #tpu.memory_space<vmem>>
      %dma_start3A_166 = tpu.memref_slice %arg6[%mul3A_160] : memref<25600xi32, #tpu.memory_space<vmem>> -> memref<512xi32, #tpu.memory_space<vmem>>
      %dma_start3A_167 = arith.constant 0 : i32
      %dma_start3A_168 = arith.constant 0 : i32
      %dma_start3A_169 = tpu.memref_slice %arg3[%dma_start3A_167, %dma_start3A_168] : memref<1000000x32xf32, #tpu.memory_space<hbm>> -> memref<1000000x32xf32, #tpu.memory_space<hbm>>
      tpu.enqueue_indirect_dma source(%dma_start3A_169 : memref<1000000x32xf32, #tpu.memory_space<hbm>>) target(%dma_start3A_165 : memref<512x32xf32, #tpu.memory_space<vmem>>) offsets(%dma_start3A_166 : memref<512xi32, #tpu.memory_space<vmem>>) semaphore(%arg10 : memref<!tpu.dma_semaphore, #tpu.memory_space<semaphore_mem>>)
      %gt3A = arith.constant 0 : i32
      %gt3A_170 = arith.cmpi sgt, %scan3A_143, %gt3A : i32
      %convert_element_type3A = arith.extui %gt3A_170 : i1 to i32
      %cond3A = arith.constant 0 : i32
      %cond3A_171 = arith.cmpi ne, %convert_element_type3A, %cond3A : i32
      scf.if %cond3A_171 {
        %dma_wait3A_275 = arith.constant 0 : i32
        %dma_wait3A_276 = arith.constant 0 : i32
        %dma_wait3A_277 = arith.constant 0 : i32
        %dma_wait3A_278 = arith.constant 0 : i32
        %dma_wait3A_279 = arith.constant 0 : i32
        %dma_wait3A_280 = arith.constant 0 : i32
        %dma_wait3A_281 = tpu.memref_slice %arg8[%dma_wait3A_276, %dma_wait3A_277, %dma_wait3A_278, %dma_wait3A_279, %dma_wait3A_280] : memref<2x4x4x8x128xf32, #tpu.memory_space<vmem>> -> memref<1x4x4x8x128xf32, #tpu.memory_space<vmem>>
        %dma_wait3A_282 = tpu.memref_squeeze %dma_wait3A_281 : memref<1x4x4x8x128xf32, #tpu.memory_space<vmem>> -> memref<4x4x8x128xf32, #tpu.memory_space<vmem>>
        %dma_wait3A_283 = arith.constant 0 : i32
        %dma_wait3A_284 = arith.constant 0 : i32
        %dma_wait3A_285 = arith.constant 0 : i32
        %dma_wait3A_286 = arith.constant 0 : i32
        %dma_wait3A_287 = tpu.memref_slice %arg4[%dma_wait3A_275, %dma_wait3A_283, %dma_wait3A_284, %dma_wait3A_285, %dma_wait3A_286] : memref<50x4x128x8x128xf32, #tpu.memory_space<hbm>> -> memref<1x4x128x8x128xf32, #tpu.memory_space<hbm>>
        %dma_wait3A_288 = tpu.memref_squeeze %dma_wait3A_287 : memref<1x4x128x8x128xf32, #tpu.memory_space<hbm>> -> memref<4x128x8x128xf32, #tpu.memory_space<hbm>>
        %dma_wait3A_289 = arith.constant 0 : i32
        %dma_wait3A_290 = arith.constant 0 : i32
        %dma_wait3A_291 = arith.constant 0 : i32
        %dma_wait3A_292 = arith.constant 0 : i32
        %dma_wait3A_293 = tpu.memref_slice %dma_wait3A_288[%dma_wait3A_289, %dma_wait3A_290, %dma_wait3A_291, %dma_wait3A_292] : memref<4x128x8x128xf32, #tpu.memory_space<hbm>> -> memref<4x4x8x128xf32, #tpu.memory_space<hbm>>
        %dma_wait3A_294 = arith.constant 0 : i32
        %dma_wait3A_295 = arith.constant 0 : i32
        %dma_wait3A_296 = arith.constant 0 : i32
        %dma_wait3A_297 = arith.constant 0 : i32
        %dma_wait3A_298 = tpu.memref_slice %arg8[%dma_wait3A_276, %dma_wait3A_294, %dma_wait3A_295, %dma_wait3A_296, %dma_wait3A_297] : memref<2x4x4x8x128xf32, #tpu.memory_space<vmem>> -> memref<1x4x4x8x128xf32, #tpu.memory_space<vmem>>
        %dma_wait3A_299 = tpu.memref_squeeze %dma_wait3A_298 : memref<1x4x4x8x128xf32, #tpu.memory_space<vmem>> -> memref<4x4x8x128xf32, #tpu.memory_space<vmem>>
        %dma_wait3A_300 = arith.constant 0 : i32
        %dma_wait3A_301 = arith.constant 0 : i32
        %dma_wait3A_302 = arith.constant 0 : i32
        %dma_wait3A_303 = arith.constant 0 : i32
        %dma_wait3A_304 = tpu.memref_slice %arg4[%dma_wait3A_275, %dma_wait3A_300, %dma_wait3A_301, %dma_wait3A_302, %dma_wait3A_303] : memref<50x4x128x8x128xf32, #tpu.memory_space<hbm>> -> memref<1x4x128x8x128xf32, #tpu.memory_space<hbm>>
        %dma_wait3A_305 = tpu.memref_squeeze %dma_wait3A_304 : memref<1x4x128x8x128xf32, #tpu.memory_space<hbm>> -> memref<4x128x8x128xf32, #tpu.memory_space<hbm>>
        %dma_wait3A_306 = arith.constant 0 : i32
        %dma_wait3A_307 = arith.constant 0 : i32
        %dma_wait3A_308 = arith.constant 0 : i32
        %dma_wait3A_309 = arith.constant 0 : i32
        %dma_wait3A_310 = tpu.memref_slice %dma_wait3A_305[%dma_wait3A_306, %dma_wait3A_307, %dma_wait3A_308, %dma_wait3A_309] : memref<4x128x8x128xf32, #tpu.memory_space<hbm>> -> memref<4x4x8x128xf32, #tpu.memory_space<hbm>>
        tpu.wait_dma2 semaphore(%arg11 : memref<!tpu.dma_semaphore, #tpu.memory_space<semaphore_mem>>) src(%dma_wait3A_310 : memref<4x4x8x128xf32, #tpu.memory_space<hbm>>) dst(%dma_wait3A_299 : memref<4x4x8x128xf32, #tpu.memory_space<vmem>>)
      } else {
      }
      %scan3A_172 = arith.constant 0 : i32
      %scan3A_173 = arith.constant 0 : i32
      %scan3A_174 = arith.constant 32 : i32
      %scan3A_175 = arith.addi %scan3A_173, %scan3A_174 : i32
      %scan3A_176 = arith.constant 1 : i32
      scf.for %scan3A_275 = %scan3A_173 to %scan3A_175 step %scan3A_176  : i32 {
        %mul3A_276 = arith.constant 4 : i32
        %mul3A_277 = arith.muli %scan3A_275, %mul3A_276 : i32
        %add3A_278 = arith.constant 0 : i32
        %add3A_279 = arith.addi %mul3A_277, %add3A_278 : i32
        %broadcast_in_dim3A = arith.constant 0 : i32
        %broadcast_in_dim3A_280 = vector.broadcast %broadcast_in_dim3A : i32 to vector<16xi32>
        %add3A_281 = vector.broadcast %add3A_279 : i32 to vector<16xi32>
        %add3A_282 = arith.addi %broadcast_in_dim3A_280, %add3A_281 : vector<16xi32>
        %broadcast_in_dim3A_283 = arith.constant 0 : i32
        %broadcast_in_dim3A_284 = vector.broadcast %broadcast_in_dim3A_283 : i32 to vector<16xi32>
        %add3A_285 = arith.constant 0 : i32
        %add3A_286 = arith.addi %add3A_285, %add3A_279 : i32
        %get3A = arith.constant 0 : i32
        %get3A_287 = arith.index_cast %get3A : i32 to index
        %get3A_288 = arith.index_cast %add3A_286 : i32 to index
        %get3A_289 = arith.constant 0 : index
        %get3A_290 = tpu.vector_load %arg7[%get3A_287, %get3A_288, %get3A_289] {strides = array<i32>} : memref<2x512x32xf32, #tpu.memory_space<vmem>>, vector<16xf32>,
        %get3A_291 = arith.constant 0 : i32
        %get3A_292 = arith.index_cast %get3A_291 : i32 to index
        %get3A_293 = arith.index_cast %add3A_286 : i32 to index
        %get3A_294 = arith.constant 16 : index
        %get3A_295 = tpu.vector_load %arg7[%get3A_292, %get3A_293, %get3A_294] {strides = array<i32>} : memref<2x512x32xf32, #tpu.memory_space<vmem>>, vector<16xf32>,
        %scatter3A = arith.constant 0 : i32
        %scatter3A_296 = arith.constant 0 : i32
        %scatter3A_297 = arith.constant 0 : i32
        %scatter3A_298 = arith.constant 0 : i32
        %scatter3A_299 = arith.constant 0 : i32
        %scatter3A_300 = tpu.memref_slice %arg8[%scatter3A, %scatter3A_296, %scatter3A_297, %scatter3A_298, %scatter3A_299] : memref<2x4x4x8x128xf32, #tpu.memory_space<vmem>> -> memref<1x4x4x8x128xf32, #tpu.memory_space<vmem>>
        %scatter3A_301 = tpu.memref_squeeze %scatter3A_300 : memref<1x4x4x8x128xf32, #tpu.memory_space<vmem>> -> memref<4x4x8x128xf32, #tpu.memory_space<vmem>>
        tpu.vector_store_idx %scatter3A_301[%select_n3A, %broadcast_in_dim3A_284, %select_n3A_53, %add3A_282], %get3A_290 : memref<4x4x8x128xf32, #tpu.memory_space<vmem>>[vector<16xi32>, vector<16xi32>, vector<16xi32>, vector<16xi32>], vector<16xf32>,
        %scatter3A_302 = arith.constant 0 : i32
        %scatter3A_303 = arith.constant 0 : i32
        %scatter3A_304 = arith.constant 0 : i32
        %scatter3A_305 = arith.constant 0 : i32
        %scatter3A_306 = arith.constant 0 : i32
        %scatter3A_307 = tpu.memref_slice %arg8[%scatter3A_302, %scatter3A_303, %scatter3A_304, %scatter3A_305, %scatter3A_306] : memref<2x4x4x8x128xf32, #tpu.memory_space<vmem>> -> memref<1x4x4x8x128xf32, #tpu.memory_space<vmem>>
        %scatter3A_308 = tpu.memref_squeeze %scatter3A_307 : memref<1x4x4x8x128xf32, #tpu.memory_space<vmem>> -> memref<4x4x8x128xf32, #tpu.memory_space<vmem>>
        tpu.vector_store_idx %scatter3A_308[%add3A_56, %broadcast_in_dim3A_284, %select_n3A_53, %add3A_282], %get3A_295 : memref<4x4x8x128xf32, #tpu.memory_space<vmem>>[vector<16xi32>, vector<16xi32>, vector<16xi32>, vector<16xi32>], vector<16xf32>,
        %broadcast_in_dim3A_309 = arith.constant 1 : i32
        %broadcast_in_dim3A_310 = vector.broadcast %broadcast_in_dim3A_309 : i32 to vector<16xi32>
        %add3A_311 = arith.constant 128 : i32
        %add3A_312 = arith.addi %add3A_311, %add3A_279 : i32
        %get3A_313 = arith.constant 0 : i32
        %get3A_314 = arith.index_cast %get3A_313 : i32 to index
        %get3A_315 = arith.index_cast %add3A_312 : i32 to index
        %get3A_316 = arith.constant 0 : index
        %get3A_317 = tpu.vector_load %arg7[%get3A_314, %get3A_315, %get3A_316] {strides = array<i32>} : memref<2x512x32xf32, #tpu.memory_space<vmem>>, vector<16xf32>,
        %get3A_318 = arith.constant 0 : i32
        %get3A_319 = arith.index_cast %get3A_318 : i32 to index
        %get3A_320 = arith.index_cast %add3A_312 : i32 to index
        %get3A_321 = arith.constant 16 : index
        %get3A_322 = tpu.vector_load %arg7[%get3A_319, %get3A_320, %get3A_321] {strides = array<i32>} : memref<2x512x32xf32, #tpu.memory_space<vmem>>, vector<16xf32>,
        %scatter3A_323 = arith.constant 0 : i32
        %scatter3A_324 = arith.constant 0 : i32
        %scatter3A_325 = arith.constant 0 : i32
        %scatter3A_326 = arith.constant 0 : i32
        %scatter3A_327 = arith.constant 0 : i32
        %scatter3A_328 = tpu.memref_slice %arg8[%scatter3A_323, %scatter3A_324, %scatter3A_325, %scatter3A_326, %scatter3A_327] : memref<2x4x4x8x128xf32, #tpu.memory_space<vmem>> -> memref<1x4x4x8x128xf32, #tpu.memory_space<vmem>>
        %scatter3A_329 = tpu.memref_squeeze %scatter3A_328 : memref<1x4x4x8x128xf32, #tpu.memory_space<vmem>> -> memref<4x4x8x128xf32, #tpu.memory_space<vmem>>
        tpu.vector_store_idx %scatter3A_329[%select_n3A, %broadcast_in_dim3A_310, %select_n3A_53, %add3A_282], %get3A_317 : memref<4x4x8x128xf32, #tpu.memory_space<vmem>>[vector<16xi32>, vector<16xi32>, vector<16xi32>, vector<16xi32>], vector<16xf32>,
        %scatter3A_330 = arith.constant 0 : i32
        %scatter3A_331 = arith.constant 0 : i32
        %scatter3A_332 = arith.constant 0 : i32
        %scatter3A_333 = arith.constant 0 : i32
        %scatter3A_334 = arith.constant 0 : i32
        %scatter3A_335 = tpu.memref_slice %arg8[%scatter3A_330, %scatter3A_331, %scatter3A_332, %scatter3A_333, %scatter3A_334] : memref<2x4x4x8x128xf32, #tpu.memory_space<vmem>> -> memref<1x4x4x8x128xf32, #tpu.memory_space<vmem>>
        %scatter3A_336 = tpu.memref_squeeze %scatter3A_335 : memref<1x4x4x8x128xf32, #tpu.memory_space<vmem>> -> memref<4x4x8x128xf32, #tpu.memory_space<vmem>>
        tpu.vector_store_idx %scatter3A_336[%add3A_56, %broadcast_in_dim3A_310, %select_n3A_53, %add3A_282], %get3A_322 : memref<4x4x8x128xf32, #tpu.memory_space<vmem>>[vector<16xi32>, vector<16xi32>, vector<16xi32>, vector<16xi32>], vector<16xf32>,
        %broadcast_in_dim3A_337 = arith.constant 2 : i32
        %broadcast_in_dim3A_338 = vector.broadcast %broadcast_in_dim3A_337 : i32 to vector<16xi32>
        %add3A_339 = arith.constant 256 : i32
        %add3A_340 = arith.addi %add3A_339, %add3A_279 : i32
        %get3A_341 = arith.constant 0 : i32
        %get3A_342 = arith.index_cast %get3A_341 : i32 to index
        %get3A_343 = arith.index_cast %add3A_340 : i32 to index
        %get3A_344 = arith.constant 0 : index
        %get3A_345 = tpu.vector_load %arg7[%get3A_342, %get3A_343, %get3A_344] {strides = array<i32>} : memref<2x512x32xf32, #tpu.memory_space<vmem>>, vector<16xf32>,
        %get3A_346 = arith.constant 0 : i32
        %get3A_347 = arith.index_cast %get3A_346 : i32 to index
        %get3A_348 = arith.index_cast %add3A_340 : i32 to index
        %get3A_349 = arith.constant 16 : index
        %get3A_350 = tpu.vector_load %arg7[%get3A_347, %get3A_348, %get3A_349] {strides = array<i32>} : memref<2x512x32xf32, #tpu.memory_space<vmem>>, vector<16xf32>,
        %scatter3A_351 = arith.constant 0 : i32
        %scatter3A_352 = arith.constant 0 : i32
        %scatter3A_353 = arith.constant 0 : i32
        %scatter3A_354 = arith.constant 0 : i32
        %scatter3A_355 = arith.constant 0 : i32
        %scatter3A_356 = tpu.memref_slice %arg8[%scatter3A_351, %scatter3A_352, %scatter3A_353, %scatter3A_354, %scatter3A_355] : memref<2x4x4x8x128xf32, #tpu.memory_space<vmem>> -> memref<1x4x4x8x128xf32, #tpu.memory_space<vmem>>
        %scatter3A_357 = tpu.memref_squeeze %scatter3A_356 : memref<1x4x4x8x128xf32, #tpu.memory_space<vmem>> -> memref<4x4x8x128xf32, #tpu.memory_space<vmem>>
        tpu.vector_store_idx %scatter3A_357[%select_n3A, %broadcast_in_dim3A_338, %select_n3A_53, %add3A_282], %get3A_345 : memref<4x4x8x128xf32, #tpu.memory_space<vmem>>[vector<16xi32>, vector<16xi32>, vector<16xi32>, vector<16xi32>], vector<16xf32>,
        %scatter3A_358 = arith.constant 0 : i32
        %scatter3A_359 = arith.constant 0 : i32
        %scatter3A_360 = arith.constant 0 : i32
        %scatter3A_361 = arith.constant 0 : i32
        %scatter3A_362 = arith.constant 0 : i32
        %scatter3A_363 = tpu.memref_slice %arg8[%scatter3A_358, %scatter3A_359, %scatter3A_360, %scatter3A_361, %scatter3A_362] : memref<2x4x4x8x128xf32, #tpu.memory_space<vmem>> -> memref<1x4x4x8x128xf32, #tpu.memory_space<vmem>>
        %scatter3A_364 = tpu.memref_squeeze %scatter3A_363 : memref<1x4x4x8x128xf32, #tpu.memory_space<vmem>> -> memref<4x4x8x128xf32, #tpu.memory_space<vmem>>
        tpu.vector_store_idx %scatter3A_364[%add3A_56, %broadcast_in_dim3A_338, %select_n3A_53, %add3A_282], %get3A_350 : memref<4x4x8x128xf32, #tpu.memory_space<vmem>>[vector<16xi32>, vector<16xi32>, vector<16xi32>, vector<16xi32>], vector<16xf32>,
        %broadcast_in_dim3A_365 = arith.constant 3 : i32
        %broadcast_in_dim3A_366 = vector.broadcast %broadcast_in_dim3A_365 : i32 to vector<16xi32>
        %add3A_367 = arith.constant 384 : i32
        %add3A_368 = arith.addi %add3A_367, %add3A_279 : i32
        %get3A_369 = arith.constant 0 : i32
        %get3A_370 = arith.index_cast %get3A_369 : i32 to index
        %get3A_371 = arith.index_cast %add3A_368 : i32 to index
        %get3A_372 = arith.constant 0 : index
        %get3A_373 = tpu.vector_load %arg7[%get3A_370, %get3A_371, %get3A_372] {strides = array<i32>} : memref<2x512x32xf32, #tpu.memory_space<vmem>>, vector<16xf32>,
        %get3A_374 = arith.constant 0 : i32
        %get3A_375 = arith.index_cast %get3A_374 : i32 to index
        %get3A_376 = arith.index_cast %add3A_368 : i32 to index
        %get3A_377 = arith.constant 16 : index
        %get3A_378 = tpu.vector_load %arg7[%get3A_375, %get3A_376, %get3A_377] {strides = array<i32>} : memref<2x512x32xf32, #tpu.memory_space<vmem>>, vector<16xf32>,
        %scatter3A_379 = arith.constant 0 : i32
        %scatter3A_380 = arith.constant 0 : i32
        %scatter3A_381 = arith.constant 0 : i32
        %scatter3A_382 = arith.constant 0 : i32
        %scatter3A_383 = arith.constant 0 : i32
        %scatter3A_384 = tpu.memref_slice %arg8[%scatter3A_379, %scatter3A_380, %scatter3A_381, %scatter3A_382, %scatter3A_383] : memref<2x4x4x8x128xf32, #tpu.memory_space<vmem>> -> memref<1x4x4x8x128xf32, #tpu.memory_space<vmem>>
        %scatter3A_385 = tpu.memref_squeeze %scatter3A_384 : memref<1x4x4x8x128xf32, #tpu.memory_space<vmem>> -> memref<4x4x8x128xf32, #tpu.memory_space<vmem>>
        tpu.vector_store_idx %scatter3A_385[%select_n3A, %broadcast_in_dim3A_366, %select_n3A_53, %add3A_282], %get3A_373 : memref<4x4x8x128xf32, #tpu.memory_space<vmem>>[vector<16xi32>, vector<16xi32>, vector<16xi32>, vector<16xi32>], vector<16xf32>,
        %scatter3A_386 = arith.constant 0 : i32
        %scatter3A_387 = arith.constant 0 : i32
        %scatter3A_388 = arith.constant 0 : i32
        %scatter3A_389 = arith.constant 0 : i32
        %scatter3A_390 = arith.constant 0 : i32
        %scatter3A_391 = tpu.memref_slice %arg8[%scatter3A_386, %scatter3A_387, %scatter3A_388, %scatter3A_389, %scatter3A_390] : memref<2x4x4x8x128xf32, #tpu.memory_space<vmem>> -> memref<1x4x4x8x128xf32, #tpu.memory_space<vmem>>
        %scatter3A_392 = tpu.memref_squeeze %scatter3A_391 : memref<1x4x4x8x128xf32, #tpu.memory_space<vmem>> -> memref<4x4x8x128xf32, #tpu.memory_space<vmem>>
        tpu.vector_store_idx %scatter3A_392[%add3A_56, %broadcast_in_dim3A_366, %select_n3A_53, %add3A_282], %get3A_378 : memref<4x4x8x128xf32, #tpu.memory_space<vmem>>[vector<16xi32>, vector<16xi32>, vector<16xi32>, vector<16xi32>], vector<16xf32>,
        %mul3A_393 = arith.constant 4 : i32
        %mul3A_394 = arith.muli %scan3A_275, %mul3A_393 : i32
        %add3A_395 = arith.constant 1 : i32
        %add3A_396 = arith.addi %mul3A_394, %add3A_395 : i32
        %broadcast_in_dim3A_397 = arith.constant 0 : i32
        %broadcast_in_dim3A_398 = vector.broadcast %broadcast_in_dim3A_397 : i32 to vector<16xi32>
        %add3A_399 = vector.broadcast %add3A_396 : i32 to vector<16xi32>
        %add3A_400 = arith.addi %broadcast_in_dim3A_398, %add3A_399 : vector<16xi32>
        %broadcast_in_dim3A_401 = arith.constant 0 : i32
        %broadcast_in_dim3A_402 = vector.broadcast %broadcast_in_dim3A_401 : i32 to vector<16xi32>
        %add3A_403 = arith.constant 0 : i32
        %add3A_404 = arith.addi %add3A_403, %add3A_396 : i32
        %get3A_405 = arith.constant 0 : i32
        %get3A_406 = arith.index_cast %get3A_405 : i32 to index
        %get3A_407 = arith.index_cast %add3A_404 : i32 to index
        %get3A_408 = arith.constant 0 : index
        %get3A_409 = tpu.vector_load %arg7[%get3A_406, %get3A_407, %get3A_408] {strides = array<i32>} : memref<2x512x32xf32, #tpu.memory_space<vmem>>, vector<16xf32>,
        %get3A_410 = arith.constant 0 : i32
        %get3A_411 = arith.index_cast %get3A_410 : i32 to index
        %get3A_412 = arith.index_cast %add3A_404 : i32 to index
        %get3A_413 = arith.constant 16 : index
        %get3A_414 = tpu.vector_load %arg7[%get3A_411, %get3A_412, %get3A_413] {strides = array<i32>} : memref<2x512x32xf32, #tpu.memory_space<vmem>>, vector<16xf32>,
        %scatter3A_415 = arith.constant 0 : i32
        %scatter3A_416 = arith.constant 0 : i32
        %scatter3A_417 = arith.constant 0 : i32
        %scatter3A_418 = arith.constant 0 : i32
        %scatter3A_419 = arith.constant 0 : i32
        %scatter3A_420 = tpu.memref_slice %arg8[%scatter3A_415, %scatter3A_416, %scatter3A_417, %scatter3A_418, %scatter3A_419] : memref<2x4x4x8x128xf32, #tpu.memory_space<vmem>> -> memref<1x4x4x8x128xf32, #tpu.memory_space<vmem>>
        %scatter3A_421 = tpu.memref_squeeze %scatter3A_420 : memref<1x4x4x8x128xf32, #tpu.memory_space<vmem>> -> memref<4x4x8x128xf32, #tpu.memory_space<vmem>>
        tpu.vector_store_idx %scatter3A_421[%select_n3A, %broadcast_in_dim3A_402, %select_n3A_53, %add3A_400], %get3A_409 : memref<4x4x8x128xf32, #tpu.memory_space<vmem>>[vector<16xi32>, vector<16xi32>, vector<16xi32>, vector<16xi32>], vector<16xf32>,
        %scatter3A_422 = arith.constant 0 : i32
        %scatter3A_423 = arith.constant 0 : i32
        %scatter3A_424 = arith.constant 0 : i32
        %scatter3A_425 = arith.constant 0 : i32
        %scatter3A_426 = arith.constant 0 : i32
        %scatter3A_427 = tpu.memref_slice %arg8[%scatter3A_422, %scatter3A_423, %scatter3A_424, %scatter3A_425, %scatter3A_426] : memref<2x4x4x8x128xf32, #tpu.memory_space<vmem>> -> memref<1x4x4x8x128xf32, #tpu.memory_space<vmem>>
        %scatter3A_428 = tpu.memref_squeeze %scatter3A_427 : memref<1x4x4x8x128xf32, #tpu.memory_space<vmem>> -> memref<4x4x8x128xf32, #tpu.memory_space<vmem>>
        tpu.vector_store_idx %scatter3A_428[%add3A_56, %broadcast_in_dim3A_402, %select_n3A_53, %add3A_400], %get3A_414 : memref<4x4x8x128xf32, #tpu.memory_space<vmem>>[vector<16xi32>, vector<16xi32>, vector<16xi32>, vector<16xi32>], vector<16xf32>,
        %broadcast_in_dim3A_429 = arith.constant 1 : i32
        %broadcast_in_dim3A_430 = vector.broadcast %broadcast_in_dim3A_429 : i32 to vector<16xi32>
        %add3A_431 = arith.constant 128 : i32
        %add3A_432 = arith.addi %add3A_431, %add3A_396 : i32
        %get3A_433 = arith.constant 0 : i32
        %get3A_434 = arith.index_cast %get3A_433 : i32 to index
        %get3A_435 = arith.index_cast %add3A_432 : i32 to index
        %get3A_436 = arith.constant 0 : index
        %get3A_437 = tpu.vector_load %arg7[%get3A_434, %get3A_435, %get3A_436] {strides = array<i32>} : memref<2x512x32xf32, #tpu.memory_space<vmem>>, vector<16xf32>,
        %get3A_438 = arith.constant 0 : i32
        %get3A_439 = arith.index_cast %get3A_438 : i32 to index
        %get3A_440 = arith.index_cast %add3A_432 : i32 to index
        %get3A_441 = arith.constant 16 : index
        %get3A_442 = tpu.vector_load %arg7[%get3A_439, %get3A_440, %get3A_441] {strides = array<i32>} : memref<2x512x32xf32, #tpu.memory_space<vmem>>, vector<16xf32>,
        %scatter3A_443 = arith.constant 0 : i32
        %scatter3A_444 = arith.constant 0 : i32
        %scatter3A_445 = arith.constant 0 : i32
        %scatter3A_446 = arith.constant 0 : i32
        %scatter3A_447 = arith.constant 0 : i32
        %scatter3A_448 = tpu.memref_slice %arg8[%scatter3A_443, %scatter3A_444, %scatter3A_445, %scatter3A_446, %scatter3A_447] : memref<2x4x4x8x128xf32, #tpu.memory_space<vmem>> -> memref<1x4x4x8x128xf32, #tpu.memory_space<vmem>>
        %scatter3A_449 = tpu.memref_squeeze %scatter3A_448 : memref<1x4x4x8x128xf32, #tpu.memory_space<vmem>> -> memref<4x4x8x128xf32, #tpu.memory_space<vmem>>
        tpu.vector_store_idx %scatter3A_449[%select_n3A, %broadcast_in_dim3A_430, %select_n3A_53, %add3A_400], %get3A_437 : memref<4x4x8x128xf32, #tpu.memory_space<vmem>>[vector<16xi32>, vector<16xi32>, vector<16xi32>, vector<16xi32>], vector<16xf32>,
        %scatter3A_450 = arith.constant 0 : i32
        %scatter3A_451 = arith.constant 0 : i32
        %scatter3A_452 = arith.constant 0 : i32
        %scatter3A_453 = arith.constant 0 : i32
        %scatter3A_454 = arith.constant 0 : i32
        %scatter3A_455 = tpu.memref_slice %arg8[%scatter3A_450, %scatter3A_451, %scatter3A_452, %scatter3A_453, %scatter3A_454] : memref<2x4x4x8x128xf32, #tpu.memory_space<vmem>> -> memref<1x4x4x8x128xf32, #tpu.memory_space<vmem>>
        %scatter3A_456 = tpu.memref_squeeze %scatter3A_455 : memref<1x4x4x8x128xf32, #tpu.memory_space<vmem>> -> memref<4x4x8x128xf32, #tpu.memory_space<vmem>>
        tpu.vector_store_idx %scatter3A_456[%add3A_56, %broadcast_in_dim3A_430, %select_n3A_53, %add3A_400], %get3A_442 : memref<4x4x8x128xf32, #tpu.memory_space<vmem>>[vector<16xi32>, vector<16xi32>, vector<16xi32>, vector<16xi32>], vector<16xf32>,
        %broadcast_in_dim3A_457 = arith.constant 2 : i32
        %broadcast_in_dim3A_458 = vector.broadcast %broadcast_in_dim3A_457 : i32 to vector<16xi32>
        %add3A_459 = arith.constant 256 : i32
        %add3A_460 = arith.addi %add3A_459, %add3A_396 : i32
        %get3A_461 = arith.constant 0 : i32
        %get3A_462 = arith.index_cast %get3A_461 : i32 to index
        %get3A_463 = arith.index_cast %add3A_460 : i32 to index
        %get3A_464 = arith.constant 0 : index
        %get3A_465 = tpu.vector_load %arg7[%get3A_462, %get3A_463, %get3A_464] {strides = array<i32>} : memref<2x512x32xf32, #tpu.memory_space<vmem>>, vector<16xf32>,
        %get3A_466 = arith.constant 0 : i32
        %get3A_467 = arith.index_cast %get3A_466 : i32 to index
        %get3A_468 = arith.index_cast %add3A_460 : i32 to index
        %get3A_469 = arith.constant 16 : index
        %get3A_470 = tpu.vector_load %arg7[%get3A_467, %get3A_468, %get3A_469] {strides = array<i32>} : memref<2x512x32xf32, #tpu.memory_space<vmem>>, vector<16xf32>,
        %scatter3A_471 = arith.constant 0 : i32
        %scatter3A_472 = arith.constant 0 : i32
        %scatter3A_473 = arith.constant 0 : i32
        %scatter3A_474 = arith.constant 0 : i32
        %scatter3A_475 = arith.constant 0 : i32
        %scatter3A_476 = tpu.memref_slice %arg8[%scatter3A_471, %scatter3A_472, %scatter3A_473, %scatter3A_474, %scatter3A_475] : memref<2x4x4x8x128xf32, #tpu.memory_space<vmem>> -> memref<1x4x4x8x128xf32, #tpu.memory_space<vmem>>
        %scatter3A_477 = tpu.memref_squeeze %scatter3A_476 : memref<1x4x4x8x128xf32, #tpu.memory_space<vmem>> -> memref<4x4x8x128xf32, #tpu.memory_space<vmem>>
        tpu.vector_store_idx %scatter3A_477[%select_n3A, %broadcast_in_dim3A_458, %select_n3A_53, %add3A_400], %get3A_465 : memref<4x4x8x128xf32, #tpu.memory_space<vmem>>[vector<16xi32>, vector<16xi32>, vector<16xi32>, vector<16xi32>], vector<16xf32>,
        %scatter3A_478 = arith.constant 0 : i32
        %scatter3A_479 = arith.constant 0 : i32
        %scatter3A_480 = arith.constant 0 : i32
        %scatter3A_481 = arith.constant 0 : i32
        %scatter3A_482 = arith.constant 0 : i32
        %scatter3A_483 = tpu.memref_slice %arg8[%scatter3A_478, %scatter3A_479, %scatter3A_480, %scatter3A_481, %scatter3A_482] : memref<2x4x4x8x128xf32, #tpu.memory_space<vmem>> -> memref<1x4x4x8x128xf32, #tpu.memory_space<vmem>>
        %scatter3A_484 = tpu.memref_squeeze %scatter3A_483 : memref<1x4x4x8x128xf32, #tpu.memory_space<vmem>> -> memref<4x4x8x128xf32, #tpu.memory_space<vmem>>
        tpu.vector_store_idx %scatter3A_484[%add3A_56, %broadcast_in_dim3A_458, %select_n3A_53, %add3A_400], %get3A_470 : memref<4x4x8x128xf32, #tpu.memory_space<vmem>>[vector<16xi32>, vector<16xi32>, vector<16xi32>, vector<16xi32>], vector<16xf32>,
        %broadcast_in_dim3A_485 = arith.constant 3 : i32
        %broadcast_in_dim3A_486 = vector.broadcast %broadcast_in_dim3A_485 : i32 to vector<16xi32>
        %add3A_487 = arith.constant 384 : i32
        %add3A_488 = arith.addi %add3A_487, %add3A_396 : i32
        %get3A_489 = arith.constant 0 : i32
        %get3A_490 = arith.index_cast %get3A_489 : i32 to index
        %get3A_491 = arith.index_cast %add3A_488 : i32 to index
        %get3A_492 = arith.constant 0 : index
        %get3A_493 = tpu.vector_load %arg7[%get3A_490, %get3A_491, %get3A_492] {strides = array<i32>} : memref<2x512x32xf32, #tpu.memory_space<vmem>>, vector<16xf32>,
        %get3A_494 = arith.constant 0 : i32
        %get3A_495 = arith.index_cast %get3A_494 : i32 to index
        %get3A_496 = arith.index_cast %add3A_488 : i32 to index
        %get3A_497 = arith.constant 16 : index
        %get3A_498 = tpu.vector_load %arg7[%get3A_495, %get3A_496, %get3A_497] {strides = array<i32>} : memref<2x512x32xf32, #tpu.memory_space<vmem>>, vector<16xf32>,
        %scatter3A_499 = arith.constant 0 : i32
        %scatter3A_500 = arith.constant 0 : i32
        %scatter3A_501 = arith.constant 0 : i32
        %scatter3A_502 = arith.constant 0 : i32
        %scatter3A_503 = arith.constant 0 : i32
        %scatter3A_504 = tpu.memref_slice %arg8[%scatter3A_499, %scatter3A_500, %scatter3A_501, %scatter3A_502, %scatter3A_503] : memref<2x4x4x8x128xf32, #tpu.memory_space<vmem>> -> memref<1x4x4x8x128xf32, #tpu.memory_space<vmem>>
        %scatter3A_505 = tpu.memref_squeeze %scatter3A_504 : memref<1x4x4x8x128xf32, #tpu.memory_space<vmem>> -> memref<4x4x8x128xf32, #tpu.memory_space<vmem>>
        tpu.vector_store_idx %scatter3A_505[%select_n3A, %broadcast_in_dim3A_486, %select_n3A_53, %add3A_400], %get3A_493 : memref<4x4x8x128xf32, #tpu.memory_space<vmem>>[vector<16xi32>, vector<16xi32>, vector<16xi32>, vector<16xi32>], vector<16xf32>,
        %scatter3A_506 = arith.constant 0 : i32
        %scatter3A_507 = arith.constant 0 : i32
        %scatter3A_508 = arith.constant 0 : i32
        %scatter3A_509 = arith.constant 0 : i32
        %scatter3A_510 = arith.constant 0 : i32
        %scatter3A_511 = tpu.memref_slice %arg8[%scatter3A_506, %scatter3A_507, %scatter3A_508, %scatter3A_509, %scatter3A_510] : memref<2x4x4x8x128xf32, #tpu.memory_space<vmem>> -> memref<1x4x4x8x128xf32, #tpu.memory_space<vmem>>
        %scatter3A_512 = tpu.memref_squeeze %scatter3A_511 : memref<1x4x4x8x128xf32, #tpu.memory_space<vmem>> -> memref<4x4x8x128xf32, #tpu.memory_space<vmem>>
        tpu.vector_store_idx %scatter3A_512[%add3A_56, %broadcast_in_dim3A_486, %select_n3A_53, %add3A_400], %get3A_498 : memref<4x4x8x128xf32, #tpu.memory_space<vmem>>[vector<16xi32>, vector<16xi32>, vector<16xi32>, vector<16xi32>], vector<16xf32>,
        %mul3A_513 = arith.constant 4 : i32
        %mul3A_514 = arith.muli %scan3A_275, %mul3A_513 : i32
        %add3A_515 = arith.constant 2 : i32
        %add3A_516 = arith.addi %mul3A_514, %add3A_515 : i32
        %broadcast_in_dim3A_517 = arith.constant 0 : i32
        %broadcast_in_dim3A_518 = vector.broadcast %broadcast_in_dim3A_517 : i32 to vector<16xi32>
        %add3A_519 = vector.broadcast %add3A_516 : i32 to vector<16xi32>
        %add3A_520 = arith.addi %broadcast_in_dim3A_518, %add3A_519 : vector<16xi32>
        %broadcast_in_dim3A_521 = arith.constant 0 : i32
        %broadcast_in_dim3A_522 = vector.broadcast %broadcast_in_dim3A_521 : i32 to vector<16xi32>
        %add3A_523 = arith.constant 0 : i32
        %add3A_524 = arith.addi %add3A_523, %add3A_516 : i32
        %get3A_525 = arith.constant 0 : i32
        %get3A_526 = arith.index_cast %get3A_525 : i32 to index
        %get3A_527 = arith.index_cast %add3A_524 : i32 to index
        %get3A_528 = arith.constant 0 : index
        %get3A_529 = tpu.vector_load %arg7[%get3A_526, %get3A_527, %get3A_528] {strides = array<i32>} : memref<2x512x32xf32, #tpu.memory_space<vmem>>, vector<16xf32>,
        %get3A_530 = arith.constant 0 : i32
        %get3A_531 = arith.index_cast %get3A_530 : i32 to index
        %get3A_532 = arith.index_cast %add3A_524 : i32 to index
        %get3A_533 = arith.constant 16 : index
        %get3A_534 = tpu.vector_load %arg7[%get3A_531, %get3A_532, %get3A_533] {strides = array<i32>} : memref<2x512x32xf32, #tpu.memory_space<vmem>>, vector<16xf32>,
        %scatter3A_535 = arith.constant 0 : i32
        %scatter3A_536 = arith.constant 0 : i32
        %scatter3A_537 = arith.constant 0 : i32
        %scatter3A_538 = arith.constant 0 : i32
        %scatter3A_539 = arith.constant 0 : i32
        %scatter3A_540 = tpu.memref_slice %arg8[%scatter3A_535, %scatter3A_536, %scatter3A_537, %scatter3A_538, %scatter3A_539] : memref<2x4x4x8x128xf32, #tpu.memory_space<vmem>> -> memref<1x4x4x8x128xf32, #tpu.memory_space<vmem>>
        %scatter3A_541 = tpu.memref_squeeze %scatter3A_540 : memref<1x4x4x8x128xf32, #tpu.memory_space<vmem>> -> memref<4x4x8x128xf32, #tpu.memory_space<vmem>>
        tpu.vector_store_idx %scatter3A_541[%select_n3A, %broadcast_in_dim3A_522, %select_n3A_53, %add3A_520], %get3A_529 : memref<4x4x8x128xf32, #tpu.memory_space<vmem>>[vector<16xi32>, vector<16xi32>, vector<16xi32>, vector<16xi32>], vector<16xf32>,
        %scatter3A_542 = arith.constant 0 : i32
        %scatter3A_543 = arith.constant 0 : i32
        %scatter3A_544 = arith.constant 0 : i32
        %scatter3A_545 = arith.constant 0 : i32
        %scatter3A_546 = arith.constant 0 : i32
        %scatter3A_547 = tpu.memref_slice %arg8[%scatter3A_542, %scatter3A_543, %scatter3A_544, %scatter3A_545, %scatter3A_546] : memref<2x4x4x8x128xf32, #tpu.memory_space<vmem>> -> memref<1x4x4x8x128xf32, #tpu.memory_space<vmem>>
        %scatter3A_548 = tpu.memref_squeeze %scatter3A_547 : memref<1x4x4x8x128xf32, #tpu.memory_space<vmem>> -> memref<4x4x8x128xf32, #tpu.memory_space<vmem>>
        tpu.vector_store_idx %scatter3A_548[%add3A_56, %broadcast_in_dim3A_522, %select_n3A_53, %add3A_520], %get3A_534 : memref<4x4x8x128xf32, #tpu.memory_space<vmem>>[vector<16xi32>, vector<16xi32>, vector<16xi32>, vector<16xi32>], vector<16xf32>,
        %broadcast_in_dim3A_549 = arith.constant 1 : i32
        %broadcast_in_dim3A_550 = vector.broadcast %broadcast_in_dim3A_549 : i32 to vector<16xi32>
        %add3A_551 = arith.constant 128 : i32
        %add3A_552 = arith.addi %add3A_551, %add3A_516 : i32
        %get3A_553 = arith.constant 0 : i32
        %get3A_554 = arith.index_cast %get3A_553 : i32 to index
        %get3A_555 = arith.index_cast %add3A_552 : i32 to index
        %get3A_556 = arith.constant 0 : index
        %get3A_557 = tpu.vector_load %arg7[%get3A_554, %get3A_555, %get3A_556] {strides = array<i32>} : memref<2x512x32xf32, #tpu.memory_space<vmem>>, vector<16xf32>,
        %get3A_558 = arith.constant 0 : i32
        %get3A_559 = arith.index_cast %get3A_558 : i32 to index
        %get3A_560 = arith.index_cast %add3A_552 : i32 to index
        %get3A_561 = arith.constant 16 : index
        %get3A_562 = tpu.vector_load %arg7[%get3A_559, %get3A_560, %get3A_561] {strides = array<i32>} : memref<2x512x32xf32, #tpu.memory_space<vmem>>, vector<16xf32>,
        %scatter3A_563 = arith.constant 0 : i32
        %scatter3A_564 = arith.constant 0 : i32
        %scatter3A_565 = arith.constant 0 : i32
        %scatter3A_566 = arith.constant 0 : i32
        %scatter3A_567 = arith.constant 0 : i32
        %scatter3A_568 = tpu.memref_slice %arg8[%scatter3A_563, %scatter3A_564, %scatter3A_565, %scatter3A_566, %scatter3A_567] : memref<2x4x4x8x128xf32, #tpu.memory_space<vmem>> -> memref<1x4x4x8x128xf32, #tpu.memory_space<vmem>>
        %scatter3A_569 = tpu.memref_squeeze %scatter3A_568 : memref<1x4x4x8x128xf32, #tpu.memory_space<vmem>> -> memref<4x4x8x128xf32, #tpu.memory_space<vmem>>
        tpu.vector_store_idx %scatter3A_569[%select_n3A, %broadcast_in_dim3A_550, %select_n3A_53, %add3A_520], %get3A_557 : memref<4x4x8x128xf32, #tpu.memory_space<vmem>>[vector<16xi32>, vector<16xi32>, vector<16xi32>, vector<16xi32>], vector<16xf32>,
        %scatter3A_570 = arith.constant 0 : i32
        %scatter3A_571 = arith.constant 0 : i32
        %scatter3A_572 = arith.constant 0 : i32
        %scatter3A_573 = arith.constant 0 : i32
        %scatter3A_574 = arith.constant 0 : i32
        %scatter3A_575 = tpu.memref_slice %arg8[%scatter3A_570, %scatter3A_571, %scatter3A_572, %scatter3A_573, %scatter3A_574] : memref<2x4x4x8x128xf32, #tpu.memory_space<vmem>> -> memref<1x4x4x8x128xf32, #tpu.memory_space<vmem>>
        %scatter3A_576 = tpu.memref_squeeze %scatter3A_575 : memref<1x4x4x8x128xf32, #tpu.memory_space<vmem>> -> memref<4x4x8x128xf32, #tpu.memory_space<vmem>>
        tpu.vector_store_idx %scatter3A_576[%add3A_56, %broadcast_in_dim3A_550, %select_n3A_53, %add3A_520], %get3A_562 : memref<4x4x8x128xf32, #tpu.memory_space<vmem>>[vector<16xi32>, vector<16xi32>, vector<16xi32>, vector<16xi32>], vector<16xf32>,
        %broadcast_in_dim3A_577 = arith.constant 2 : i32
        %broadcast_in_dim3A_578 = vector.broadcast %broadcast_in_dim3A_577 : i32 to vector<16xi32>
        %add3A_579 = arith.constant 256 : i32
        %add3A_580 = arith.addi %add3A_579, %add3A_516 : i32
        %get3A_581 = arith.constant 0 : i32
        %get3A_582 = arith.index_cast %get3A_581 : i32 to index
        %get3A_583 = arith.index_cast %add3A_580 : i32 to index
        %get3A_584 = arith.constant 0 : index
        %get3A_585 = tpu.vector_load %arg7[%get3A_582, %get3A_583, %get3A_584] {strides = array<i32>} : memref<2x512x32xf32, #tpu.memory_space<vmem>>, vector<16xf32>,
        %get3A_586 = arith.constant 0 : i32
        %get3A_587 = arith.index_cast %get3A_586 : i32 to index
        %get3A_588 = arith.index_cast %add3A_580 : i32 to index
        %get3A_589 = arith.constant 16 : index
        %get3A_590 = tpu.vector_load %arg7[%get3A_587, %get3A_588, %get3A_589] {strides = array<i32>} : memref<2x512x32xf32, #tpu.memory_space<vmem>>, vector<16xf32>,
        %scatter3A_591 = arith.constant 0 : i32
        %scatter3A_592 = arith.constant 0 : i32
        %scatter3A_593 = arith.constant 0 : i32
        %scatter3A_594 = arith.constant 0 : i32
        %scatter3A_595 = arith.constant 0 : i32
        %scatter3A_596 = tpu.memref_slice %arg8[%scatter3A_591, %scatter3A_592, %scatter3A_593, %scatter3A_594, %scatter3A_595] : memref<2x4x4x8x128xf32, #tpu.memory_space<vmem>> -> memref<1x4x4x8x128xf32, #tpu.memory_space<vmem>>
        %scatter3A_597 = tpu.memref_squeeze %scatter3A_596 : memref<1x4x4x8x128xf32, #tpu.memory_space<vmem>> -> memref<4x4x8x128xf32, #tpu.memory_space<vmem>>
        tpu.vector_store_idx %scatter3A_597[%select_n3A, %broadcast_in_dim3A_578, %select_n3A_53, %add3A_520], %get3A_585 : memref<4x4x8x128xf32, #tpu.memory_space<vmem>>[vector<16xi32>, vector<16xi32>, vector<16xi32>, vector<16xi32>], vector<16xf32>,
        %scatter3A_598 = arith.constant 0 : i32
        %scatter3A_599 = arith.constant 0 : i32
        %scatter3A_600 = arith.constant 0 : i32
        %scatter3A_601 = arith.constant 0 : i32
        %scatter3A_602 = arith.constant 0 : i32
        %scatter3A_603 = tpu.memref_slice %arg8[%scatter3A_598, %scatter3A_599, %scatter3A_600, %scatter3A_601, %scatter3A_602] : memref<2x4x4x8x128xf32, #tpu.memory_space<vmem>> -> memref<1x4x4x8x128xf32, #tpu.memory_space<vmem>>
        %scatter3A_604 = tpu.memref_squeeze %scatter3A_603 : memref<1x4x4x8x128xf32, #tpu.memory_space<vmem>> -> memref<4x4x8x128xf32, #tpu.memory_space<vmem>>
        tpu.vector_store_idx %scatter3A_604[%add3A_56, %broadcast_in_dim3A_578, %select_n3A_53, %add3A_520], %get3A_590 : memref<4x4x8x128xf32, #tpu.memory_space<vmem>>[vector<16xi32>, vector<16xi32>, vector<16xi32>, vector<16xi32>], vector<16xf32>,
        %broadcast_in_dim3A_605 = arith.constant 3 : i32
        %broadcast_in_dim3A_606 = vector.broadcast %broadcast_in_dim3A_605 : i32 to vector<16xi32>
        %add3A_607 = arith.constant 384 : i32
        %add3A_608 = arith.addi %add3A_607, %add3A_516 : i32
        %get3A_609 = arith.constant 0 : i32
        %get3A_610 = arith.index_cast %get3A_609 : i32 to index
        %get3A_611 = arith.index_cast %add3A_608 : i32 to index
        %get3A_612 = arith.constant 0 : index
        %get3A_613 = tpu.vector_load %arg7[%get3A_610, %get3A_611, %get3A_612] {strides = array<i32>} : memref<2x512x32xf32, #tpu.memory_space<vmem>>, vector<16xf32>,
        %get3A_614 = arith.constant 0 : i32
        %get3A_615 = arith.index_cast %get3A_614 : i32 to index
        %get3A_616 = arith.index_cast %add3A_608 : i32 to index
        %get3A_617 = arith.constant 16 : index
        %get3A_618 = tpu.vector_load %arg7[%get3A_615, %get3A_616, %get3A_617] {strides = array<i32>} : memref<2x512x32xf32, #tpu.memory_space<vmem>>, vector<16xf32>,
        %scatter3A_619 = arith.constant 0 : i32
        %scatter3A_620 = arith.constant 0 : i32
        %scatter3A_621 = arith.constant 0 : i32
        %scatter3A_622 = arith.constant 0 : i32
        %scatter3A_623 = arith.constant 0 : i32
        %scatter3A_624 = tpu.memref_slice %arg8[%scatter3A_619, %scatter3A_620, %scatter3A_621, %scatter3A_622, %scatter3A_623] : memref<2x4x4x8x128xf32, #tpu.memory_space<vmem>> -> memref<1x4x4x8x128xf32, #tpu.memory_space<vmem>>
        %scatter3A_625 = tpu.memref_squeeze %scatter3A_624 : memref<1x4x4x8x128xf32, #tpu.memory_space<vmem>> -> memref<4x4x8x128xf32, #tpu.memory_space<vmem>>
        tpu.vector_store_idx %scatter3A_625[%select_n3A, %broadcast_in_dim3A_606, %select_n3A_53, %add3A_520], %get3A_613 : memref<4x4x8x128xf32, #tpu.memory_space<vmem>>[vector<16xi32>, vector<16xi32>, vector<16xi32>, vector<16xi32>], vector<16xf32>,
        %scatter3A_626 = arith.constant 0 : i32
        %scatter3A_627 = arith.constant 0 : i32
        %scatter3A_628 = arith.constant 0 : i32
        %scatter3A_629 = arith.constant 0 : i32
        %scatter3A_630 = arith.constant 0 : i32
        %scatter3A_631 = tpu.memref_slice %arg8[%scatter3A_626, %scatter3A_627, %scatter3A_628, %scatter3A_629, %scatter3A_630] : memref<2x4x4x8x128xf32, #tpu.memory_space<vmem>> -> memref<1x4x4x8x128xf32, #tpu.memory_space<vmem>>
        %scatter3A_632 = tpu.memref_squeeze %scatter3A_631 : memref<1x4x4x8x128xf32, #tpu.memory_space<vmem>> -> memref<4x4x8x128xf32, #tpu.memory_space<vmem>>
        tpu.vector_store_idx %scatter3A_632[%add3A_56, %broadcast_in_dim3A_606, %select_n3A_53, %add3A_520], %get3A_618 : memref<4x4x8x128xf32, #tpu.memory_space<vmem>>[vector<16xi32>, vector<16xi32>, vector<16xi32>, vector<16xi32>], vector<16xf32>,
        %mul3A_633 = arith.constant 4 : i32
        %mul3A_634 = arith.muli %scan3A_275, %mul3A_633 : i32
        %add3A_635 = arith.constant 3 : i32
        %add3A_636 = arith.addi %mul3A_634, %add3A_635 : i32
        %broadcast_in_dim3A_637 = arith.constant 0 : i32
        %broadcast_in_dim3A_638 = vector.broadcast %broadcast_in_dim3A_637 : i32 to vector<16xi32>
        %add3A_639 = vector.broadcast %add3A_636 : i32 to vector<16xi32>
        %add3A_640 = arith.addi %broadcast_in_dim3A_638, %add3A_639 : vector<16xi32>
        %broadcast_in_dim3A_641 = arith.constant 0 : i32
        %broadcast_in_dim3A_642 = vector.broadcast %broadcast_in_dim3A_641 : i32 to vector<16xi32>
        %add3A_643 = arith.constant 0 : i32
        %add3A_644 = arith.addi %add3A_643, %add3A_636 : i32
        %get3A_645 = arith.constant 0 : i32
        %get3A_646 = arith.index_cast %get3A_645 : i32 to index
        %get3A_647 = arith.index_cast %add3A_644 : i32 to index
        %get3A_648 = arith.constant 0 : index
        %get3A_649 = tpu.vector_load %arg7[%get3A_646, %get3A_647, %get3A_648] {strides = array<i32>} : memref<2x512x32xf32, #tpu.memory_space<vmem>>, vector<16xf32>,
        %get3A_650 = arith.constant 0 : i32
        %get3A_651 = arith.index_cast %get3A_650 : i32 to index
        %get3A_652 = arith.index_cast %add3A_644 : i32 to index
        %get3A_653 = arith.constant 16 : index
        %get3A_654 = tpu.vector_load %arg7[%get3A_651, %get3A_652, %get3A_653] {strides = array<i32>} : memref<2x512x32xf32, #tpu.memory_space<vmem>>, vector<16xf32>,
        %scatter3A_655 = arith.constant 0 : i32
        %scatter3A_656 = arith.constant 0 : i32
        %scatter3A_657 = arith.constant 0 : i32
        %scatter3A_658 = arith.constant 0 : i32
        %scatter3A_659 = arith.constant 0 : i32
        %scatter3A_660 = tpu.memref_slice %arg8[%scatter3A_655, %scatter3A_656, %scatter3A_657, %scatter3A_658, %scatter3A_659] : memref<2x4x4x8x128xf32, #tpu.memory_space<vmem>> -> memref<1x4x4x8x128xf32, #tpu.memory_space<vmem>>
        %scatter3A_661 = tpu.memref_squeeze %scatter3A_660 : memref<1x4x4x8x128xf32, #tpu.memory_space<vmem>> -> memref<4x4x8x128xf32, #tpu.memory_space<vmem>>
        tpu.vector_store_idx %scatter3A_661[%select_n3A, %broadcast_in_dim3A_642, %select_n3A_53, %add3A_640], %get3A_649 : memref<4x4x8x128xf32, #tpu.memory_space<vmem>>[vector<16xi32>, vector<16xi32>, vector<16xi32>, vector<16xi32>], vector<16xf32>,
        %scatter3A_662 = arith.constant 0 : i32
        %scatter3A_663 = arith.constant 0 : i32
        %scatter3A_664 = arith.constant 0 : i32
        %scatter3A_665 = arith.constant 0 : i32
        %scatter3A_666 = arith.constant 0 : i32
        %scatter3A_667 = tpu.memref_slice %arg8[%scatter3A_662, %scatter3A_663, %scatter3A_664, %scatter3A_665, %scatter3A_666] : memref<2x4x4x8x128xf32, #tpu.memory_space<vmem>> -> memref<1x4x4x8x128xf32, #tpu.memory_space<vmem>>
        %scatter3A_668 = tpu.memref_squeeze %scatter3A_667 : memref<1x4x4x8x128xf32, #tpu.memory_space<vmem>> -> memref<4x4x8x128xf32, #tpu.memory_space<vmem>>
        tpu.vector_store_idx %scatter3A_668[%add3A_56, %broadcast_in_dim3A_642, %select_n3A_53, %add3A_640], %get3A_654 : memref<4x4x8x128xf32, #tpu.memory_space<vmem>>[vector<16xi32>, vector<16xi32>, vector<16xi32>, vector<16xi32>], vector<16xf32>,
        %broadcast_in_dim3A_669 = arith.constant 1 : i32
        %broadcast_in_dim3A_670 = vector.broadcast %broadcast_in_dim3A_669 : i32 to vector<16xi32>
        %add3A_671 = arith.constant 128 : i32
        %add3A_672 = arith.addi %add3A_671, %add3A_636 : i32
        %get3A_673 = arith.constant 0 : i32
        %get3A_674 = arith.index_cast %get3A_673 : i32 to index
        %get3A_675 = arith.index_cast %add3A_672 : i32 to index
        %get3A_676 = arith.constant 0 : index
        %get3A_677 = tpu.vector_load %arg7[%get3A_674, %get3A_675, %get3A_676] {strides = array<i32>} : memref<2x512x32xf32, #tpu.memory_space<vmem>>, vector<16xf32>,
        %get3A_678 = arith.constant 0 : i32
        %get3A_679 = arith.index_cast %get3A_678 : i32 to index
        %get3A_680 = arith.index_cast %add3A_672 : i32 to index
        %get3A_681 = arith.constant 16 : index
        %get3A_682 = tpu.vector_load %arg7[%get3A_679, %get3A_680, %get3A_681] {strides = array<i32>} : memref<2x512x32xf32, #tpu.memory_space<vmem>>, vector<16xf32>,
        %scatter3A_683 = arith.constant 0 : i32
        %scatter3A_684 = arith.constant 0 : i32
        %scatter3A_685 = arith.constant 0 : i32
        %scatter3A_686 = arith.constant 0 : i32
        %scatter3A_687 = arith.constant 0 : i32
        %scatter3A_688 = tpu.memref_slice %arg8[%scatter3A_683, %scatter3A_684, %scatter3A_685, %scatter3A_686, %scatter3A_687] : memref<2x4x4x8x128xf32, #tpu.memory_space<vmem>> -> memref<1x4x4x8x128xf32, #tpu.memory_space<vmem>>
        %scatter3A_689 = tpu.memref_squeeze %scatter3A_688 : memref<1x4x4x8x128xf32, #tpu.memory_space<vmem>> -> memref<4x4x8x128xf32, #tpu.memory_space<vmem>>
        tpu.vector_store_idx %scatter3A_689[%select_n3A, %broadcast_in_dim3A_670, %select_n3A_53, %add3A_640], %get3A_677 : memref<4x4x8x128xf32, #tpu.memory_space<vmem>>[vector<16xi32>, vector<16xi32>, vector<16xi32>, vector<16xi32>], vector<16xf32>,
        %scatter3A_690 = arith.constant 0 : i32
        %scatter3A_691 = arith.constant 0 : i32
        %scatter3A_692 = arith.constant 0 : i32
        %scatter3A_693 = arith.constant 0 : i32
        %scatter3A_694 = arith.constant 0 : i32
        %scatter3A_695 = tpu.memref_slice %arg8[%scatter3A_690, %scatter3A_691, %scatter3A_692, %scatter3A_693, %scatter3A_694] : memref<2x4x4x8x128xf32, #tpu.memory_space<vmem>> -> memref<1x4x4x8x128xf32, #tpu.memory_space<vmem>>
        %scatter3A_696 = tpu.memref_squeeze %scatter3A_695 : memref<1x4x4x8x128xf32, #tpu.memory_space<vmem>> -> memref<4x4x8x128xf32, #tpu.memory_space<vmem>>
        tpu.vector_store_idx %scatter3A_696[%add3A_56, %broadcast_in_dim3A_670, %select_n3A_53, %add3A_640], %get3A_682 : memref<4x4x8x128xf32, #tpu.memory_space<vmem>>[vector<16xi32>, vector<16xi32>, vector<16xi32>, vector<16xi32>], vector<16xf32>,
        %broadcast_in_dim3A_697 = arith.constant 2 : i32
        %broadcast_in_dim3A_698 = vector.broadcast %broadcast_in_dim3A_697 : i32 to vector<16xi32>
        %add3A_699 = arith.constant 256 : i32
        %add3A_700 = arith.addi %add3A_699, %add3A_636 : i32
        %get3A_701 = arith.constant 0 : i32
        %get3A_702 = arith.index_cast %get3A_701 : i32 to index
        %get3A_703 = arith.index_cast %add3A_700 : i32 to index
        %get3A_704 = arith.constant 0 : index
        %get3A_705 = tpu.vector_load %arg7[%get3A_702, %get3A_703, %get3A_704] {strides = array<i32>} : memref<2x512x32xf32, #tpu.memory_space<vmem>>, vector<16xf32>,
        %get3A_706 = arith.constant 0 : i32
        %get3A_707 = arith.index_cast %get3A_706 : i32 to index
        %get3A_708 = arith.index_cast %add3A_700 : i32 to index
        %get3A_709 = arith.constant 16 : index
        %get3A_710 = tpu.vector_load %arg7[%get3A_707, %get3A_708, %get3A_709] {strides = array<i32>} : memref<2x512x32xf32, #tpu.memory_space<vmem>>, vector<16xf32>,
        %scatter3A_711 = arith.constant 0 : i32
        %scatter3A_712 = arith.constant 0 : i32
        %scatter3A_713 = arith.constant 0 : i32
        %scatter3A_714 = arith.constant 0 : i32
        %scatter3A_715 = arith.constant 0 : i32
        %scatter3A_716 = tpu.memref_slice %arg8[%scatter3A_711, %scatter3A_712, %scatter3A_713, %scatter3A_714, %scatter3A_715] : memref<2x4x4x8x128xf32, #tpu.memory_space<vmem>> -> memref<1x4x4x8x128xf32, #tpu.memory_space<vmem>>
        %scatter3A_717 = tpu.memref_squeeze %scatter3A_716 : memref<1x4x4x8x128xf32, #tpu.memory_space<vmem>> -> memref<4x4x8x128xf32, #tpu.memory_space<vmem>>
        tpu.vector_store_idx %scatter3A_717[%select_n3A, %broadcast_in_dim3A_698, %select_n3A_53, %add3A_640], %get3A_705 : memref<4x4x8x128xf32, #tpu.memory_space<vmem>>[vector<16xi32>, vector<16xi32>, vector<16xi32>, vector<16xi32>], vector<16xf32>,
        %scatter3A_718 = arith.constant 0 : i32
        %scatter3A_719 = arith.constant 0 : i32
        %scatter3A_720 = arith.constant 0 : i32
        %scatter3A_721 = arith.constant 0 : i32
        %scatter3A_722 = arith.constant 0 : i32
        %scatter3A_723 = tpu.memref_slice %arg8[%scatter3A_718, %scatter3A_719, %scatter3A_720, %scatter3A_721, %scatter3A_722] : memref<2x4x4x8x128xf32, #tpu.memory_space<vmem>> -> memref<1x4x4x8x128xf32, #tpu.memory_space<vmem>>
        %scatter3A_724 = tpu.memref_squeeze %scatter3A_723 : memref<1x4x4x8x128xf32, #tpu.memory_space<vmem>> -> memref<4x4x8x128xf32, #tpu.memory_space<vmem>>
        tpu.vector_store_idx %scatter3A_724[%add3A_56, %broadcast_in_dim3A_698, %select_n3A_53, %add3A_640], %get3A_710 : memref<4x4x8x128xf32, #tpu.memory_space<vmem>>[vector<16xi32>, vector<16xi32>, vector<16xi32>, vector<16xi32>], vector<16xf32>,
        %broadcast_in_dim3A_725 = arith.constant 3 : i32
        %broadcast_in_dim3A_726 = vector.broadcast %broadcast_in_dim3A_725 : i32 to vector<16xi32>
        %add3A_727 = arith.constant 384 : i32
        %add3A_728 = arith.addi %add3A_727, %add3A_636 : i32
        %get3A_729 = arith.constant 0 : i32
        %get3A_730 = arith.index_cast %get3A_729 : i32 to index
        %get3A_731 = arith.index_cast %add3A_728 : i32 to index
        %get3A_732 = arith.constant 0 : index
        %get3A_733 = tpu.vector_load %arg7[%get3A_730, %get3A_731, %get3A_732] {strides = array<i32>} : memref<2x512x32xf32, #tpu.memory_space<vmem>>, vector<16xf32>,
        %get3A_734 = arith.constant 0 : i32
        %get3A_735 = arith.index_cast %get3A_734 : i32 to index
        %get3A_736 = arith.index_cast %add3A_728 : i32 to index
        %get3A_737 = arith.constant 16 : index
        %get3A_738 = tpu.vector_load %arg7[%get3A_735, %get3A_736, %get3A_737] {strides = array<i32>} : memref<2x512x32xf32, #tpu.memory_space<vmem>>, vector<16xf32>,
        %scatter3A_739 = arith.constant 0 : i32
        %scatter3A_740 = arith.constant 0 : i32
        %scatter3A_741 = arith.constant 0 : i32
        %scatter3A_742 = arith.constant 0 : i32
        %scatter3A_743 = arith.constant 0 : i32
        %scatter3A_744 = tpu.memref_slice %arg8[%scatter3A_739, %scatter3A_740, %scatter3A_741, %scatter3A_742, %scatter3A_743] : memref<2x4x4x8x128xf32, #tpu.memory_space<vmem>> -> memref<1x4x4x8x128xf32, #tpu.memory_space<vmem>>
        %scatter3A_745 = tpu.memref_squeeze %scatter3A_744 : memref<1x4x4x8x128xf32, #tpu.memory_space<vmem>> -> memref<4x4x8x128xf32, #tpu.memory_space<vmem>>
        tpu.vector_store_idx %scatter3A_745[%select_n3A, %broadcast_in_dim3A_726, %select_n3A_53, %add3A_640], %get3A_733 : memref<4x4x8x128xf32, #tpu.memory_space<vmem>>[vector<16xi32>, vector<16xi32>, vector<16xi32>, vector<16xi32>], vector<16xf32>,
        %scatter3A_746 = arith.constant 0 : i32
        %scatter3A_747 = arith.constant 0 : i32
        %scatter3A_748 = arith.constant 0 : i32
        %scatter3A_749 = arith.constant 0 : i32
        %scatter3A_750 = arith.constant 0 : i32
        %scatter3A_751 = tpu.memref_slice %arg8[%scatter3A_746, %scatter3A_747, %scatter3A_748, %scatter3A_749, %scatter3A_750] : memref<2x4x4x8x128xf32, #tpu.memory_space<vmem>> -> memref<1x4x4x8x128xf32, #tpu.memory_space<vmem>>
        %scatter3A_752 = tpu.memref_squeeze %scatter3A_751 : memref<1x4x4x8x128xf32, #tpu.memory_space<vmem>> -> memref<4x4x8x128xf32, #tpu.memory_space<vmem>>
        tpu.vector_store_idx %scatter3A_752[%add3A_56, %broadcast_in_dim3A_726, %select_n3A_53, %add3A_640], %get3A_738 : memref<4x4x8x128xf32, #tpu.memory_space<vmem>>[vector<16xi32>, vector<16xi32>, vector<16xi32>, vector<16xi32>], vector<16xf32>,
      }
      %scan3A_177 = arith.constant 32 : i32
      %mul3A_178 = arith.constant 4 : i32
      %mul3A_179 = arith.muli %add3A, %mul3A_178 : i32
      %dma_start3A_180 = arith.constant 0 : i32
      %dma_start3A_181 = arith.constant 0 : i32
      %dma_start3A_182 = arith.constant 0 : i32
      %dma_start3A_183 = arith.constant 0 : i32
      %dma_start3A_184 = arith.constant 0 : i32
      %dma_start3A_185 = tpu.memref_slice %arg8[%dma_start3A_180, %dma_start3A_181, %dma_start3A_182, %dma_start3A_183, %dma_start3A_184] : memref<2x4x4x8x128xf32, #tpu.memory_space<vmem>> -> memref<1x4x4x8x128xf32, #tpu.memory_space<vmem>>
      %dma_start3A_186 = tpu.memref_squeeze %dma_start3A_185 : memref<1x4x4x8x128xf32, #tpu.memory_space<vmem>> -> memref<4x4x8x128xf32, #tpu.memory_space<vmem>>
      %dma_start3A_187 = arith.constant 0 : i32
      %dma_start3A_188 = arith.constant 0 : i32
      %dma_start3A_189 = arith.constant 0 : i32
      %dma_start3A_190 = arith.constant 0 : i32
      %dma_start3A_191 = tpu.memref_slice %arg4[%mul3A_145, %dma_start3A_187, %dma_start3A_188, %dma_start3A_189, %dma_start3A_190] : memref<50x4x128x8x128xf32, #tpu.memory_space<hbm>> -> memref<1x4x128x8x128xf32, #tpu.memory_space<hbm>>
      %dma_start3A_192 = tpu.memref_squeeze %dma_start3A_191 : memref<1x4x128x8x128xf32, #tpu.memory_space<hbm>> -> memref<4x128x8x128xf32, #tpu.memory_space<hbm>>
      %dma_start3A_193 = arith.constant 0 : i32
      %dma_start3A_194 = arith.constant 0 : i32
      %dma_start3A_195 = arith.constant 0 : i32
      %dma_start3A_196 = tpu.memref_slice %dma_start3A_192[%dma_start3A_193, %mul3A_179, %dma_start3A_194, %dma_start3A_195] : memref<4x128x8x128xf32, #tpu.memory_space<hbm>> -> memref<4x4x8x128xf32, #tpu.memory_space<hbm>>
      %dma_start3A_197 = arith.constant 0 : i32
      %dma_start3A_198 = arith.constant 0 : i32
      %dma_start3A_199 = arith.constant 0 : i32
      %dma_start3A_200 = arith.constant 0 : i32
      %dma_start3A_201 = tpu.memref_slice %arg4[%mul3A_145, %dma_start3A_197, %dma_start3A_198, %dma_start3A_199, %dma_start3A_200] : memref<50x4x128x8x128xf32, #tpu.memory_space<hbm>> -> memref<1x4x128x8x128xf32, #tpu.memory_space<hbm>>
      %dma_start3A_202 = tpu.memref_squeeze %dma_start3A_201 : memref<1x4x128x8x128xf32, #tpu.memory_space<hbm>> -> memref<4x128x8x128xf32, #tpu.memory_space<hbm>>
      %dma_start3A_203 = arith.constant 0 : i32
      %dma_start3A_204 = arith.constant 0 : i32
      %dma_start3A_205 = arith.constant 0 : i32
      %dma_start3A_206 = tpu.memref_slice %dma_start3A_202[%dma_start3A_203, %mul3A_179, %dma_start3A_204, %dma_start3A_205] : memref<4x128x8x128xf32, #tpu.memory_space<hbm>> -> memref<4x4x8x128xf32, #tpu.memory_space<hbm>>
      %dma_start3A_207 = arith.constant 0 : i32
      %dma_start3A_208 = arith.constant 0 : i32
      %dma_start3A_209 = arith.constant 0 : i32
      %dma_start3A_210 = arith.constant 0 : i32
      %dma_start3A_211 = tpu.memref_slice %arg8[%dma_start3A_180, %dma_start3A_207, %dma_start3A_208, %dma_start3A_209, %dma_start3A_210] : memref<2x4x4x8x128xf32, #tpu.memory_space<vmem>> -> memref<1x4x4x8x128xf32, #tpu.memory_space<vmem>>
      %dma_start3A_212 = tpu.memref_squeeze %dma_start3A_211 : memref<1x4x4x8x128xf32, #tpu.memory_space<vmem>> -> memref<4x4x8x128xf32, #tpu.memory_space<vmem>>
      tpu.enqueue_dma source(%dma_start3A_212 : memref<4x4x8x128xf32, #tpu.memory_space<vmem>>) target(%dma_start3A_206 : memref<4x4x8x128xf32, #tpu.memory_space<hbm>>) target_semaphore(%arg11 : memref<!tpu.dma_semaphore, #tpu.memory_space<semaphore_mem>>)
      %mul3A_213 = arith.constant 512 : i32
      %mul3A_214 = arith.muli %add3A_147, %mul3A_213 : i32
      %dma_wait3A_215 = arith.constant 1 : i32
      %dma_wait3A_216 = arith.constant 0 : i32
      %dma_wait3A_217 = arith.constant 0 : i32
      %dma_wait3A_218 = tpu.memref_slice %arg7[%dma_wait3A_215, %dma_wait3A_216, %dma_wait3A_217] : memref<2x512x32xf32, #tpu.memory_space<vmem>> -> memref<1x512x32xf32, #tpu.memory_space<vmem>>
      %dma_wait3A_219 = tpu.memref_squeeze %dma_wait3A_218 : memref<1x512x32xf32, #tpu.memory_space<vmem>> -> memref<512x32xf32, #tpu.memory_space<vmem>>
      %dma_wait3A_220 = tpu.memref_slice %arg6[%mul3A_214] : memref<25600xi32, #tpu.memory_space<vmem>> -> memref<512xi32, #tpu.memory_space<vmem>>
      %dma_wait3A_221 = arith.constant 0 : i32
      %dma_wait3A_222 = arith.constant 0 : i32
      %dma_wait3A_223 = tpu.memref_slice %arg3[%dma_wait3A_221, %dma_wait3A_222] : memref<1000000x32xf32, #tpu.memory_space<hbm>> -> memref<1000000x32xf32, #tpu.memory_space<hbm>>
      tpu.wait_indirect_dma semaphore(%arg10 : memref<!tpu.dma_semaphore, #tpu.memory_space<semaphore_mem>>) src(%dma_wait3A_223 : memref<1000000x32xf32, #tpu.memory_space<hbm>>) dst(%dma_wait3A_219 : memref<512x32xf32, #tpu.memory_space<vmem>>)
      %lt3A_224 = arith.constant 24 : i32
      %lt3A_225 = arith.cmpi slt, %scan3A_143, %lt3A_224 : i32
      %convert_element_type3A_226 = arith.extui %lt3A_225 : i1 to i32
      %cond3A_227 = arith.constant 0 : i32
      %cond3A_228 = arith.cmpi ne, %convert_element_type3A_226, %cond3A_227 : i32
      scf.if %cond3A_228 {
        %add3A_275 = arith.constant 2 : i32
        %add3A_276 = arith.addi %mul3A_145, %add3A_275 : i32
        %mul3A_277 = arith.constant 512 : i32
        %mul3A_278 = arith.muli %add3A_276, %mul3A_277 : i32
        %dma_start3A_279 = arith.constant 0 : i32
        %dma_start3A_280 = arith.constant 0 : i32
        %dma_start3A_281 = arith.constant 0 : i32
        %dma_start3A_282 = tpu.memref_slice %arg7[%dma_start3A_279, %dma_start3A_280, %dma_start3A_281] : memref<2x512x32xf32, #tpu.memory_space<vmem>> -> memref<1x512x32xf32, #tpu.memory_space<vmem>>
        %dma_start3A_283 = tpu.memref_squeeze %dma_start3A_282 : memref<1x512x32xf32, #tpu.memory_space<vmem>> -> memref<512x32xf32, #tpu.memory_space<vmem>>
        %dma_start3A_284 = tpu.memref_slice %arg6[%mul3A_278] : memref<25600xi32, #tpu.memory_space<vmem>> -> memref<512xi32, #tpu.memory_space<vmem>>
        %dma_start3A_285 = arith.constant 0 : i32
        %dma_start3A_286 = arith.constant 0 : i32
        %dma_start3A_287 = tpu.memref_slice %arg3[%dma_start3A_285, %dma_start3A_286] : memref<1000000x32xf32, #tpu.memory_space<hbm>> -> memref<1000000x32xf32, #tpu.memory_space<hbm>>
        tpu.enqueue_indirect_dma source(%dma_start3A_287 : memref<1000000x32xf32, #tpu.memory_space<hbm>>) target(%dma_start3A_283 : memref<512x32xf32, #tpu.memory_space<vmem>>) offsets(%dma_start3A_284 : memref<512xi32, #tpu.memory_space<vmem>>) semaphore(%arg9 : memref<!tpu.dma_semaphore, #tpu.memory_space<semaphore_mem>>)
      } else {
      }
      %gt3A_229 = arith.constant 0 : i32
      %gt3A_230 = arith.cmpi sgt, %scan3A_143, %gt3A_229 : i32
      %convert_element_type3A_231 = arith.extui %gt3A_230 : i1 to i32
      %cond3A_232 = arith.constant 0 : i32
      %cond3A_233 = arith.cmpi ne, %convert_element_type3A_231, %cond3A_232 : i32
      scf.if %cond3A_233 {
        %dma_wait3A_275 = arith.constant 0 : i32
        %dma_wait3A_276 = arith.constant 1 : i32
        %dma_wait3A_277 = arith.constant 0 : i32
        %dma_wait3A_278 = arith.constant 0 : i32
        %dma_wait3A_279 = arith.constant 0 : i32
        %dma_wait3A_280 = arith.constant 0 : i32
        %dma_wait3A_281 = tpu.memref_slice %arg8[%dma_wait3A_276, %dma_wait3A_277, %dma_wait3A_278, %dma_wait3A_279, %dma_wait3A_280] : memref<2x4x4x8x128xf32, #tpu.memory_space<vmem>> -> memref<1x4x4x8x128xf32, #tpu.memory_space<vmem>>
        %dma_wait3A_282 = tpu.memref_squeeze %dma_wait3A_281 : memref<1x4x4x8x128xf32, #tpu.memory_space<vmem>> -> memref<4x4x8x128xf32, #tpu.memory_space<vmem>>
        %dma_wait3A_283 = arith.constant 0 : i32
        %dma_wait3A_284 = arith.constant 0 : i32
        %dma_wait3A_285 = arith.constant 0 : i32
        %dma_wait3A_286 = arith.constant 0 : i32
        %dma_wait3A_287 = tpu.memref_slice %arg4[%dma_wait3A_275, %dma_wait3A_283, %dma_wait3A_284, %dma_wait3A_285, %dma_wait3A_286] : memref<50x4x128x8x128xf32, #tpu.memory_space<hbm>> -> memref<1x4x128x8x128xf32, #tpu.memory_space<hbm>>
        %dma_wait3A_288 = tpu.memref_squeeze %dma_wait3A_287 : memref<1x4x128x8x128xf32, #tpu.memory_space<hbm>> -> memref<4x128x8x128xf32, #tpu.memory_space<hbm>>
        %dma_wait3A_289 = arith.constant 0 : i32
        %dma_wait3A_290 = arith.constant 0 : i32
        %dma_wait3A_291 = arith.constant 0 : i32
        %dma_wait3A_292 = arith.constant 0 : i32
        %dma_wait3A_293 = tpu.memref_slice %dma_wait3A_288[%dma_wait3A_289, %dma_wait3A_290, %dma_wait3A_291, %dma_wait3A_292] : memref<4x128x8x128xf32, #tpu.memory_space<hbm>> -> memref<4x4x8x128xf32, #tpu.memory_space<hbm>>
        %dma_wait3A_294 = arith.constant 0 : i32
        %dma_wait3A_295 = arith.constant 0 : i32
        %dma_wait3A_296 = arith.constant 0 : i32
        %dma_wait3A_297 = arith.constant 0 : i32
        %dma_wait3A_298 = tpu.memref_slice %arg8[%dma_wait3A_276, %dma_wait3A_294, %dma_wait3A_295, %dma_wait3A_296, %dma_wait3A_297] : memref<2x4x4x8x128xf32, #tpu.memory_space<vmem>> -> memref<1x4x4x8x128xf32, #tpu.memory_space<vmem>>
        %dma_wait3A_299 = tpu.memref_squeeze %dma_wait3A_298 : memref<1x4x4x8x128xf32, #tpu.memory_space<vmem>> -> memref<4x4x8x128xf32, #tpu.memory_space<vmem>>
        %dma_wait3A_300 = arith.constant 0 : i32
        %dma_wait3A_301 = arith.constant 0 : i32
        %dma_wait3A_302 = arith.constant 0 : i32
        %dma_wait3A_303 = arith.constant 0 : i32
        %dma_wait3A_304 = tpu.memref_slice %arg4[%dma_wait3A_275, %dma_wait3A_300, %dma_wait3A_301, %dma_wait3A_302, %dma_wait3A_303] : memref<50x4x128x8x128xf32, #tpu.memory_space<hbm>> -> memref<1x4x128x8x128xf32, #tpu.memory_space<hbm>>
        %dma_wait3A_305 = tpu.memref_squeeze %dma_wait3A_304 : memref<1x4x128x8x128xf32, #tpu.memory_space<hbm>> -> memref<4x128x8x128xf32, #tpu.memory_space<hbm>>
        %dma_wait3A_306 = arith.constant 0 : i32
        %dma_wait3A_307 = arith.constant 0 : i32
        %dma_wait3A_308 = arith.constant 0 : i32
        %dma_wait3A_309 = arith.constant 0 : i32
        %dma_wait3A_310 = tpu.memref_slice %dma_wait3A_305[%dma_wait3A_306, %dma_wait3A_307, %dma_wait3A_308, %dma_wait3A_309] : memref<4x128x8x128xf32, #tpu.memory_space<hbm>> -> memref<4x4x8x128xf32, #tpu.memory_space<hbm>>
        tpu.wait_dma2 semaphore(%arg12 : memref<!tpu.dma_semaphore, #tpu.memory_space<semaphore_mem>>) src(%dma_wait3A_310 : memref<4x4x8x128xf32, #tpu.memory_space<hbm>>) dst(%dma_wait3A_299 : memref<4x4x8x128xf32, #tpu.memory_space<vmem>>)
      } else {
      }
      %scan3A_234 = arith.constant 0 : i32
      %scan3A_235 = arith.constant 0 : i32
      %scan3A_236 = arith.constant 32 : i32
      %scan3A_237 = arith.addi %scan3A_235, %scan3A_236 : i32
      %scan3A_238 = arith.constant 1 : i32
      scf.for %scan3A_275 = %scan3A_235 to %scan3A_237 step %scan3A_238  : i32 {
        %mul3A_276 = arith.constant 4 : i32
        %mul3A_277 = arith.muli %scan3A_275, %mul3A_276 : i32
        %add3A_278 = arith.constant 0 : i32
        %add3A_279 = arith.addi %mul3A_277, %add3A_278 : i32
        %broadcast_in_dim3A = arith.constant 0 : i32
        %broadcast_in_dim3A_280 = vector.broadcast %broadcast_in_dim3A : i32 to vector<16xi32>
        %add3A_281 = vector.broadcast %add3A_279 : i32 to vector<16xi32>
        %add3A_282 = arith.addi %broadcast_in_dim3A_280, %add3A_281 : vector<16xi32>
        %broadcast_in_dim3A_283 = arith.constant 0 : i32
        %broadcast_in_dim3A_284 = vector.broadcast %broadcast_in_dim3A_283 : i32 to vector<16xi32>
        %add3A_285 = arith.constant 0 : i32
        %add3A_286 = arith.addi %add3A_285, %add3A_279 : i32
        %get3A = arith.constant 1 : i32
        %get3A_287 = arith.index_cast %get3A : i32 to index
        %get3A_288 = arith.index_cast %add3A_286 : i32 to index
        %get3A_289 = arith.constant 0 : index
        %get3A_290 = tpu.vector_load %arg7[%get3A_287, %get3A_288, %get3A_289] {strides = array<i32>} : memref<2x512x32xf32, #tpu.memory_space<vmem>>, vector<16xf32>,
        %get3A_291 = arith.constant 1 : i32
        %get3A_292 = arith.index_cast %get3A_291 : i32 to index
        %get3A_293 = arith.index_cast %add3A_286 : i32 to index
        %get3A_294 = arith.constant 16 : index
        %get3A_295 = tpu.vector_load %arg7[%get3A_292, %get3A_293, %get3A_294] {strides = array<i32>} : memref<2x512x32xf32, #tpu.memory_space<vmem>>, vector<16xf32>,
        %scatter3A = arith.constant 1 : i32
        %scatter3A_296 = arith.constant 0 : i32
        %scatter3A_297 = arith.constant 0 : i32
        %scatter3A_298 = arith.constant 0 : i32
        %scatter3A_299 = arith.constant 0 : i32
        %scatter3A_300 = tpu.memref_slice %arg8[%scatter3A, %scatter3A_296, %scatter3A_297, %scatter3A_298, %scatter3A_299] : memref<2x4x4x8x128xf32, #tpu.memory_space<vmem>> -> memref<1x4x4x8x128xf32, #tpu.memory_space<vmem>>
        %scatter3A_301 = tpu.memref_squeeze %scatter3A_300 : memref<1x4x4x8x128xf32, #tpu.memory_space<vmem>> -> memref<4x4x8x128xf32, #tpu.memory_space<vmem>>
        tpu.vector_store_idx %scatter3A_301[%select_n3A, %broadcast_in_dim3A_284, %select_n3A_53, %add3A_282], %get3A_290 : memref<4x4x8x128xf32, #tpu.memory_space<vmem>>[vector<16xi32>, vector<16xi32>, vector<16xi32>, vector<16xi32>], vector<16xf32>,
        %scatter3A_302 = arith.constant 1 : i32
        %scatter3A_303 = arith.constant 0 : i32
        %scatter3A_304 = arith.constant 0 : i32
        %scatter3A_305 = arith.constant 0 : i32
        %scatter3A_306 = arith.constant 0 : i32
        %scatter3A_307 = tpu.memref_slice %arg8[%scatter3A_302, %scatter3A_303, %scatter3A_304, %scatter3A_305, %scatter3A_306] : memref<2x4x4x8x128xf32, #tpu.memory_space<vmem>> -> memref<1x4x4x8x128xf32, #tpu.memory_space<vmem>>
        %scatter3A_308 = tpu.memref_squeeze %scatter3A_307 : memref<1x4x4x8x128xf32, #tpu.memory_space<vmem>> -> memref<4x4x8x128xf32, #tpu.memory_space<vmem>>
        tpu.vector_store_idx %scatter3A_308[%add3A_56, %broadcast_in_dim3A_284, %select_n3A_53, %add3A_282], %get3A_295 : memref<4x4x8x128xf32, #tpu.memory_space<vmem>>[vector<16xi32>, vector<16xi32>, vector<16xi32>, vector<16xi32>], vector<16xf32>,
        %broadcast_in_dim3A_309 = arith.constant 1 : i32
        %broadcast_in_dim3A_310 = vector.broadcast %broadcast_in_dim3A_309 : i32 to vector<16xi32>
        %add3A_311 = arith.constant 128 : i32
        %add3A_312 = arith.addi %add3A_311, %add3A_279 : i32
        %get3A_313 = arith.constant 1 : i32
        %get3A_314 = arith.index_cast %get3A_313 : i32 to index
        %get3A_315 = arith.index_cast %add3A_312 : i32 to index
        %get3A_316 = arith.constant 0 : index
        %get3A_317 = tpu.vector_load %arg7[%get3A_314, %get3A_315, %get3A_316] {strides = array<i32>} : memref<2x512x32xf32, #tpu.memory_space<vmem>>, vector<16xf32>,
        %get3A_318 = arith.constant 1 : i32
        %get3A_319 = arith.index_cast %get3A_318 : i32 to index
        %get3A_320 = arith.index_cast %add3A_312 : i32 to index
        %get3A_321 = arith.constant 16 : index
        %get3A_322 = tpu.vector_load %arg7[%get3A_319, %get3A_320, %get3A_321] {strides = array<i32>} : memref<2x512x32xf32, #tpu.memory_space<vmem>>, vector<16xf32>,
        %scatter3A_323 = arith.constant 1 : i32
        %scatter3A_324 = arith.constant 0 : i32
        %scatter3A_325 = arith.constant 0 : i32
        %scatter3A_326 = arith.constant 0 : i32
        %scatter3A_327 = arith.constant 0 : i32
        %scatter3A_328 = tpu.memref_slice %arg8[%scatter3A_323, %scatter3A_324, %scatter3A_325, %scatter3A_326, %scatter3A_327] : memref<2x4x4x8x128xf32, #tpu.memory_space<vmem>> -> memref<1x4x4x8x128xf32, #tpu.memory_space<vmem>>
        %scatter3A_329 = tpu.memref_squeeze %scatter3A_328 : memref<1x4x4x8x128xf32, #tpu.memory_space<vmem>> -> memref<4x4x8x128xf32, #tpu.memory_space<vmem>>
        tpu.vector_store_idx %scatter3A_329[%select_n3A, %broadcast_in_dim3A_310, %select_n3A_53, %add3A_282], %get3A_317 : memref<4x4x8x128xf32, #tpu.memory_space<vmem>>[vector<16xi32>, vector<16xi32>, vector<16xi32>, vector<16xi32>], vector<16xf32>,
        %scatter3A_330 = arith.constant 1 : i32
        %scatter3A_331 = arith.constant 0 : i32
        %scatter3A_332 = arith.constant 0 : i32
        %scatter3A_333 = arith.constant 0 : i32
        %scatter3A_334 = arith.constant 0 : i32
        %scatter3A_335 = tpu.memref_slice %arg8[%scatter3A_330, %scatter3A_331, %scatter3A_332, %scatter3A_333, %scatter3A_334] : memref<2x4x4x8x128xf32, #tpu.memory_space<vmem>> -> memref<1x4x4x8x128xf32, #tpu.memory_space<vmem>>
        %scatter3A_336 = tpu.memref_squeeze %scatter3A_335 : memref<1x4x4x8x128xf32, #tpu.memory_space<vmem>> -> memref<4x4x8x128xf32, #tpu.memory_space<vmem>>
        tpu.vector_store_idx %scatter3A_336[%add3A_56, %broadcast_in_dim3A_310, %select_n3A_53, %add3A_282], %get3A_322 : memref<4x4x8x128xf32, #tpu.memory_space<vmem>>[vector<16xi32>, vector<16xi32>, vector<16xi32>, vector<16xi32>], vector<16xf32>,
        %broadcast_in_dim3A_337 = arith.constant 2 : i32
        %broadcast_in_dim3A_338 = vector.broadcast %broadcast_in_dim3A_337 : i32 to vector<16xi32>
        %add3A_339 = arith.constant 256 : i32
        %add3A_340 = arith.addi %add3A_339, %add3A_279 : i32
        %get3A_341 = arith.constant 1 : i32
        %get3A_342 = arith.index_cast %get3A_341 : i32 to index
        %get3A_343 = arith.index_cast %add3A_340 : i32 to index
        %get3A_344 = arith.constant 0 : index
        %get3A_345 = tpu.vector_load %arg7[%get3A_342, %get3A_343, %get3A_344] {strides = array<i32>} : memref<2x512x32xf32, #tpu.memory_space<vmem>>, vector<16xf32>,
        %get3A_346 = arith.constant 1 : i32
        %get3A_347 = arith.index_cast %get3A_346 : i32 to index
        %get3A_348 = arith.index_cast %add3A_340 : i32 to index
        %get3A_349 = arith.constant 16 : index
        %get3A_350 = tpu.vector_load %arg7[%get3A_347, %get3A_348, %get3A_349] {strides = array<i32>} : memref<2x512x32xf32, #tpu.memory_space<vmem>>, vector<16xf32>,
        %scatter3A_351 = arith.constant 1 : i32
        %scatter3A_352 = arith.constant 0 : i32
        %scatter3A_353 = arith.constant 0 : i32
        %scatter3A_354 = arith.constant 0 : i32
        %scatter3A_355 = arith.constant 0 : i32
        %scatter3A_356 = tpu.memref_slice %arg8[%scatter3A_351, %scatter3A_352, %scatter3A_353, %scatter3A_354, %scatter3A_355] : memref<2x4x4x8x128xf32, #tpu.memory_space<vmem>> -> memref<1x4x4x8x128xf32, #tpu.memory_space<vmem>>
        %scatter3A_357 = tpu.memref_squeeze %scatter3A_356 : memref<1x4x4x8x128xf32, #tpu.memory_space<vmem>> -> memref<4x4x8x128xf32, #tpu.memory_space<vmem>>
        tpu.vector_store_idx %scatter3A_357[%select_n3A, %broadcast_in_dim3A_338, %select_n3A_53, %add3A_282], %get3A_345 : memref<4x4x8x128xf32, #tpu.memory_space<vmem>>[vector<16xi32>, vector<16xi32>, vector<16xi32>, vector<16xi32>], vector<16xf32>,
        %scatter3A_358 = arith.constant 1 : i32
        %scatter3A_359 = arith.constant 0 : i32
        %scatter3A_360 = arith.constant 0 : i32
        %scatter3A_361 = arith.constant 0 : i32
        %scatter3A_362 = arith.constant 0 : i32
        %scatter3A_363 = tpu.memref_slice %arg8[%scatter3A_358, %scatter3A_359, %scatter3A_360, %scatter3A_361, %scatter3A_362] : memref<2x4x4x8x128xf32, #tpu.memory_space<vmem>> -> memref<1x4x4x8x128xf32, #tpu.memory_space<vmem>>
        %scatter3A_364 = tpu.memref_squeeze %scatter3A_363 : memref<1x4x4x8x128xf32, #tpu.memory_space<vmem>> -> memref<4x4x8x128xf32, #tpu.memory_space<vmem>>
        tpu.vector_store_idx %scatter3A_364[%add3A_56, %broadcast_in_dim3A_338, %select_n3A_53, %add3A_282], %get3A_350 : memref<4x4x8x128xf32, #tpu.memory_space<vmem>>[vector<16xi32>, vector<16xi32>, vector<16xi32>, vector<16xi32>], vector<16xf32>,
        %broadcast_in_dim3A_365 = arith.constant 3 : i32
        %broadcast_in_dim3A_366 = vector.broadcast %broadcast_in_dim3A_365 : i32 to vector<16xi32>
        %add3A_367 = arith.constant 384 : i32
        %add3A_368 = arith.addi %add3A_367, %add3A_279 : i32
        %get3A_369 = arith.constant 1 : i32
        %get3A_370 = arith.index_cast %get3A_369 : i32 to index
        %get3A_371 = arith.index_cast %add3A_368 : i32 to index
        %get3A_372 = arith.constant 0 : index
        %get3A_373 = tpu.vector_load %arg7[%get3A_370, %get3A_371, %get3A_372] {strides = array<i32>} : memref<2x512x32xf32, #tpu.memory_space<vmem>>, vector<16xf32>,
        %get3A_374 = arith.constant 1 : i32
        %get3A_375 = arith.index_cast %get3A_374 : i32 to index
        %get3A_376 = arith.index_cast %add3A_368 : i32 to index
        %get3A_377 = arith.constant 16 : index
        %get3A_378 = tpu.vector_load %arg7[%get3A_375, %get3A_376, %get3A_377] {strides = array<i32>} : memref<2x512x32xf32, #tpu.memory_space<vmem>>, vector<16xf32>,
        %scatter3A_379 = arith.constant 1 : i32
        %scatter3A_380 = arith.constant 0 : i32
        %scatter3A_381 = arith.constant 0 : i32
        %scatter3A_382 = arith.constant 0 : i32
        %scatter3A_383 = arith.constant 0 : i32
        %scatter3A_384 = tpu.memref_slice %arg8[%scatter3A_379, %scatter3A_380, %scatter3A_381, %scatter3A_382, %scatter3A_383] : memref<2x4x4x8x128xf32, #tpu.memory_space<vmem>> -> memref<1x4x4x8x128xf32, #tpu.memory_space<vmem>>
        %scatter3A_385 = tpu.memref_squeeze %scatter3A_384 : memref<1x4x4x8x128xf32, #tpu.memory_space<vmem>> -> memref<4x4x8x128xf32, #tpu.memory_space<vmem>>
        tpu.vector_store_idx %scatter3A_385[%select_n3A, %broadcast_in_dim3A_366, %select_n3A_53, %add3A_282], %get3A_373 : memref<4x4x8x128xf32, #tpu.memory_space<vmem>>[vector<16xi32>, vector<16xi32>, vector<16xi32>, vector<16xi32>], vector<16xf32>,
        %scatter3A_386 = arith.constant 1 : i32
        %scatter3A_387 = arith.constant 0 : i32
        %scatter3A_388 = arith.constant 0 : i32
        %scatter3A_389 = arith.constant 0 : i32
        %scatter3A_390 = arith.constant 0 : i32
        %scatter3A_391 = tpu.memref_slice %arg8[%scatter3A_386, %scatter3A_387, %scatter3A_388, %scatter3A_389, %scatter3A_390] : memref<2x4x4x8x128xf32, #tpu.memory_space<vmem>> -> memref<1x4x4x8x128xf32, #tpu.memory_space<vmem>>
        %scatter3A_392 = tpu.memref_squeeze %scatter3A_391 : memref<1x4x4x8x128xf32, #tpu.memory_space<vmem>> -> memref<4x4x8x128xf32, #tpu.memory_space<vmem>>
        tpu.vector_store_idx %scatter3A_392[%add3A_56, %broadcast_in_dim3A_366, %select_n3A_53, %add3A_282], %get3A_378 : memref<4x4x8x128xf32, #tpu.memory_space<vmem>>[vector<16xi32>, vector<16xi32>, vector<16xi32>, vector<16xi32>], vector<16xf32>,
        %mul3A_393 = arith.constant 4 : i32
        %mul3A_394 = arith.muli %scan3A_275, %mul3A_393 : i32
        %add3A_395 = arith.constant 1 : i32
        %add3A_396 = arith.addi %mul3A_394, %add3A_395 : i32
        %broadcast_in_dim3A_397 = arith.constant 0 : i32
        %broadcast_in_dim3A_398 = vector.broadcast %broadcast_in_dim3A_397 : i32 to vector<16xi32>
        %add3A_399 = vector.broadcast %add3A_396 : i32 to vector<16xi32>
        %add3A_400 = arith.addi %broadcast_in_dim3A_398, %add3A_399 : vector<16xi32>
        %broadcast_in_dim3A_401 = arith.constant 0 : i32
        %broadcast_in_dim3A_402 = vector.broadcast %broadcast_in_dim3A_401 : i32 to vector<16xi32>
        %add3A_403 = arith.constant 0 : i32
        %add3A_404 = arith.addi %add3A_403, %add3A_396 : i32
        %get3A_405 = arith.constant 1 : i32
        %get3A_406 = arith.index_cast %get3A_405 : i32 to index
        %get3A_407 = arith.index_cast %add3A_404 : i32 to index
        %get3A_408 = arith.constant 0 : index
        %get3A_409 = tpu.vector_load %arg7[%get3A_406, %get3A_407, %get3A_408] {strides = array<i32>} : memref<2x512x32xf32, #tpu.memory_space<vmem>>, vector<16xf32>,
        %get3A_410 = arith.constant 1 : i32
        %get3A_411 = arith.index_cast %get3A_410 : i32 to index
        %get3A_412 = arith.index_cast %add3A_404 : i32 to index
        %get3A_413 = arith.constant 16 : index
        %get3A_414 = tpu.vector_load %arg7[%get3A_411, %get3A_412, %get3A_413] {strides = array<i32>} : memref<2x512x32xf32, #tpu.memory_space<vmem>>, vector<16xf32>,
        %scatter3A_415 = arith.constant 1 : i32
        %scatter3A_416 = arith.constant 0 : i32
        %scatter3A_417 = arith.constant 0 : i32
        %scatter3A_418 = arith.constant 0 : i32
        %scatter3A_419 = arith.constant 0 : i32
        %scatter3A_420 = tpu.memref_slice %arg8[%scatter3A_415, %scatter3A_416, %scatter3A_417, %scatter3A_418, %scatter3A_419] : memref<2x4x4x8x128xf32, #tpu.memory_space<vmem>> -> memref<1x4x4x8x128xf32, #tpu.memory_space<vmem>>
        %scatter3A_421 = tpu.memref_squeeze %scatter3A_420 : memref<1x4x4x8x128xf32, #tpu.memory_space<vmem>> -> memref<4x4x8x128xf32, #tpu.memory_space<vmem>>
        tpu.vector_store_idx %scatter3A_421[%select_n3A, %broadcast_in_dim3A_402, %select_n3A_53, %add3A_400], %get3A_409 : memref<4x4x8x128xf32, #tpu.memory_space<vmem>>[vector<16xi32>, vector<16xi32>, vector<16xi32>, vector<16xi32>], vector<16xf32>,
        %scatter3A_422 = arith.constant 1 : i32
        %scatter3A_423 = arith.constant 0 : i32
        %scatter3A_424 = arith.constant 0 : i32
        %scatter3A_425 = arith.constant 0 : i32
        %scatter3A_426 = arith.constant 0 : i32
        %scatter3A_427 = tpu.memref_slice %arg8[%scatter3A_422, %scatter3A_423, %scatter3A_424, %scatter3A_425, %scatter3A_426] : memref<2x4x4x8x128xf32, #tpu.memory_space<vmem>> -> memref<1x4x4x8x128xf32, #tpu.memory_space<vmem>>
        %scatter3A_428 = tpu.memref_squeeze %scatter3A_427 : memref<1x4x4x8x128xf32, #tpu.memory_space<vmem>> -> memref<4x4x8x128xf32, #tpu.memory_space<vmem>>
        tpu.vector_store_idx %scatter3A_428[%add3A_56, %broadcast_in_dim3A_402, %select_n3A_53, %add3A_400], %get3A_414 : memref<4x4x8x128xf32, #tpu.memory_space<vmem>>[vector<16xi32>, vector<16xi32>, vector<16xi32>, vector<16xi32>], vector<16xf32>,
        %broadcast_in_dim3A_429 = arith.constant 1 : i32
        %broadcast_in_dim3A_430 = vector.broadcast %broadcast_in_dim3A_429 : i32 to vector<16xi32>
        %add3A_431 = arith.constant 128 : i32
        %add3A_432 = arith.addi %add3A_431, %add3A_396 : i32
        %get3A_433 = arith.constant 1 : i32
        %get3A_434 = arith.index_cast %get3A_433 : i32 to index
        %get3A_435 = arith.index_cast %add3A_432 : i32 to index
        %get3A_436 = arith.constant 0 : index
        %get3A_437 = tpu.vector_load %arg7[%get3A_434, %get3A_435, %get3A_436] {strides = array<i32>} : memref<2x512x32xf32, #tpu.memory_space<vmem>>, vector<16xf32>,
        %get3A_438 = arith.constant 1 : i32
        %get3A_439 = arith.index_cast %get3A_438 : i32 to index
        %get3A_440 = arith.index_cast %add3A_432 : i32 to index
        %get3A_441 = arith.constant 16 : index
        %get3A_442 = tpu.vector_load %arg7[%get3A_439, %get3A_440, %get3A_441] {strides = array<i32>} : memref<2x512x32xf32, #tpu.memory_space<vmem>>, vector<16xf32>,
        %scatter3A_443 = arith.constant 1 : i32
        %scatter3A_444 = arith.constant 0 : i32
        %scatter3A_445 = arith.constant 0 : i32
        %scatter3A_446 = arith.constant 0 : i32
        %scatter3A_447 = arith.constant 0 : i32
        %scatter3A_448 = tpu.memref_slice %arg8[%scatter3A_443, %scatter3A_444, %scatter3A_445, %scatter3A_446, %scatter3A_447] : memref<2x4x4x8x128xf32, #tpu.memory_space<vmem>> -> memref<1x4x4x8x128xf32, #tpu.memory_space<vmem>>
        %scatter3A_449 = tpu.memref_squeeze %scatter3A_448 : memref<1x4x4x8x128xf32, #tpu.memory_space<vmem>> -> memref<4x4x8x128xf32, #tpu.memory_space<vmem>>
        tpu.vector_store_idx %scatter3A_449[%select_n3A, %broadcast_in_dim3A_430, %select_n3A_53, %add3A_400], %get3A_437 : memref<4x4x8x128xf32, #tpu.memory_space<vmem>>[vector<16xi32>, vector<16xi32>, vector<16xi32>, vector<16xi32>], vector<16xf32>,
        %scatter3A_450 = arith.constant 1 : i32
        %scatter3A_451 = arith.constant 0 : i32
        %scatter3A_452 = arith.constant 0 : i32
        %scatter3A_453 = arith.constant 0 : i32
        %scatter3A_454 = arith.constant 0 : i32
        %scatter3A_455 = tpu.memref_slice %arg8[%scatter3A_450, %scatter3A_451, %scatter3A_452, %scatter3A_453, %scatter3A_454] : memref<2x4x4x8x128xf32, #tpu.memory_space<vmem>> -> memref<1x4x4x8x128xf32, #tpu.memory_space<vmem>>
        %scatter3A_456 = tpu.memref_squeeze %scatter3A_455 : memref<1x4x4x8x128xf32, #tpu.memory_space<vmem>> -> memref<4x4x8x128xf32, #tpu.memory_space<vmem>>
        tpu.vector_store_idx %scatter3A_456[%add3A_56, %broadcast_in_dim3A_430, %select_n3A_53, %add3A_400], %get3A_442 : memref<4x4x8x128xf32, #tpu.memory_space<vmem>>[vector<16xi32>, vector<16xi32>, vector<16xi32>, vector<16xi32>], vector<16xf32>,
        %broadcast_in_dim3A_457 = arith.constant 2 : i32
        %broadcast_in_dim3A_458 = vector.broadcast %broadcast_in_dim3A_457 : i32 to vector<16xi32>
        %add3A_459 = arith.constant 256 : i32
        %add3A_460 = arith.addi %add3A_459, %add3A_396 : i32
        %get3A_461 = arith.constant 1 : i32
        %get3A_462 = arith.index_cast %get3A_461 : i32 to index
        %get3A_463 = arith.index_cast %add3A_460 : i32 to index
        %get3A_464 = arith.constant 0 : index
        %get3A_465 = tpu.vector_load %arg7[%get3A_462, %get3A_463, %get3A_464] {strides = array<i32>} : memref<2x512x32xf32, #tpu.memory_space<vmem>>, vector<16xf32>,
        %get3A_466 = arith.constant 1 : i32
        %get3A_467 = arith.index_cast %get3A_466 : i32 to index
        %get3A_468 = arith.index_cast %add3A_460 : i32 to index
        %get3A_469 = arith.constant 16 : index
        %get3A_470 = tpu.vector_load %arg7[%get3A_467, %get3A_468, %get3A_469] {strides = array<i32>} : memref<2x512x32xf32, #tpu.memory_space<vmem>>, vector<16xf32>,
        %scatter3A_471 = arith.constant 1 : i32
        %scatter3A_472 = arith.constant 0 : i32
        %scatter3A_473 = arith.constant 0 : i32
        %scatter3A_474 = arith.constant 0 : i32
        %scatter3A_475 = arith.constant 0 : i32
        %scatter3A_476 = tpu.memref_slice %arg8[%scatter3A_471, %scatter3A_472, %scatter3A_473, %scatter3A_474, %scatter3A_475] : memref<2x4x4x8x128xf32, #tpu.memory_space<vmem>> -> memref<1x4x4x8x128xf32, #tpu.memory_space<vmem>>
        %scatter3A_477 = tpu.memref_squeeze %scatter3A_476 : memref<1x4x4x8x128xf32, #tpu.memory_space<vmem>> -> memref<4x4x8x128xf32, #tpu.memory_space<vmem>>
        tpu.vector_store_idx %scatter3A_477[%select_n3A, %broadcast_in_dim3A_458, %select_n3A_53, %add3A_400], %get3A_465 : memref<4x4x8x128xf32, #tpu.memory_space<vmem>>[vector<16xi32>, vector<16xi32>, vector<16xi32>, vector<16xi32>], vector<16xf32>,
        %scatter3A_478 = arith.constant 1 : i32
        %scatter3A_479 = arith.constant 0 : i32
        %scatter3A_480 = arith.constant 0 : i32
        %scatter3A_481 = arith.constant 0 : i32
        %scatter3A_482 = arith.constant 0 : i32
        %scatter3A_483 = tpu.memref_slice %arg8[%scatter3A_478, %scatter3A_479, %scatter3A_480, %scatter3A_481, %scatter3A_482] : memref<2x4x4x8x128xf32, #tpu.memory_space<vmem>> -> memref<1x4x4x8x128xf32, #tpu.memory_space<vmem>>
        %scatter3A_484 = tpu.memref_squeeze %scatter3A_483 : memref<1x4x4x8x128xf32, #tpu.memory_space<vmem>> -> memref<4x4x8x128xf32, #tpu.memory_space<vmem>>
        tpu.vector_store_idx %scatter3A_484[%add3A_56, %broadcast_in_dim3A_458, %select_n3A_53, %add3A_400], %get3A_470 : memref<4x4x8x128xf32, #tpu.memory_space<vmem>>[vector<16xi32>, vector<16xi32>, vector<16xi32>, vector<16xi32>], vector<16xf32>,
        %broadcast_in_dim3A_485 = arith.constant 3 : i32
        %broadcast_in_dim3A_486 = vector.broadcast %broadcast_in_dim3A_485 : i32 to vector<16xi32>
        %add3A_487 = arith.constant 384 : i32
        %add3A_488 = arith.addi %add3A_487, %add3A_396 : i32
        %get3A_489 = arith.constant 1 : i32
        %get3A_490 = arith.index_cast %get3A_489 : i32 to index
        %get3A_491 = arith.index_cast %add3A_488 : i32 to index
        %get3A_492 = arith.constant 0 : index
        %get3A_493 = tpu.vector_load %arg7[%get3A_490, %get3A_491, %get3A_492] {strides = array<i32>} : memref<2x512x32xf32, #tpu.memory_space<vmem>>, vector<16xf32>,
        %get3A_494 = arith.constant 1 : i32
        %get3A_495 = arith.index_cast %get3A_494 : i32 to index
        %get3A_496 = arith.index_cast %add3A_488 : i32 to index
        %get3A_497 = arith.constant 16 : index
        %get3A_498 = tpu.vector_load %arg7[%get3A_495, %get3A_496, %get3A_497] {strides = array<i32>} : memref<2x512x32xf32, #tpu.memory_space<vmem>>, vector<16xf32>,
        %scatter3A_499 = arith.constant 1 : i32
        %scatter3A_500 = arith.constant 0 : i32
        %scatter3A_501 = arith.constant 0 : i32
        %scatter3A_502 = arith.constant 0 : i32
        %scatter3A_503 = arith.constant 0 : i32
        %scatter3A_504 = tpu.memref_slice %arg8[%scatter3A_499, %scatter3A_500, %scatter3A_501, %scatter3A_502, %scatter3A_503] : memref<2x4x4x8x128xf32, #tpu.memory_space<vmem>> -> memref<1x4x4x8x128xf32, #tpu.memory_space<vmem>>
        %scatter3A_505 = tpu.memref_squeeze %scatter3A_504 : memref<1x4x4x8x128xf32, #tpu.memory_space<vmem>> -> memref<4x4x8x128xf32, #tpu.memory_space<vmem>>
        tpu.vector_store_idx %scatter3A_505[%select_n3A, %broadcast_in_dim3A_486, %select_n3A_53, %add3A_400], %get3A_493 : memref<4x4x8x128xf32, #tpu.memory_space<vmem>>[vector<16xi32>, vector<16xi32>, vector<16xi32>, vector<16xi32>], vector<16xf32>,
        %scatter3A_506 = arith.constant 1 : i32
        %scatter3A_507 = arith.constant 0 : i32
        %scatter3A_508 = arith.constant 0 : i32
        %scatter3A_509 = arith.constant 0 : i32
        %scatter3A_510 = arith.constant 0 : i32
        %scatter3A_511 = tpu.memref_slice %arg8[%scatter3A_506, %scatter3A_507, %scatter3A_508, %scatter3A_509, %scatter3A_510] : memref<2x4x4x8x128xf32, #tpu.memory_space<vmem>> -> memref<1x4x4x8x128xf32, #tpu.memory_space<vmem>>
        %scatter3A_512 = tpu.memref_squeeze %scatter3A_511 : memref<1x4x4x8x128xf32, #tpu.memory_space<vmem>> -> memref<4x4x8x128xf32, #tpu.memory_space<vmem>>
        tpu.vector_store_idx %scatter3A_512[%add3A_56, %broadcast_in_dim3A_486, %select_n3A_53, %add3A_400], %get3A_498 : memref<4x4x8x128xf32, #tpu.memory_space<vmem>>[vector<16xi32>, vector<16xi32>, vector<16xi32>, vector<16xi32>], vector<16xf32>,
        %mul3A_513 = arith.constant 4 : i32
        %mul3A_514 = arith.muli %scan3A_275, %mul3A_513 : i32
        %add3A_515 = arith.constant 2 : i32
        %add3A_516 = arith.addi %mul3A_514, %add3A_515 : i32
        %broadcast_in_dim3A_517 = arith.constant 0 : i32
        %broadcast_in_dim3A_518 = vector.broadcast %broadcast_in_dim3A_517 : i32 to vector<16xi32>
        %add3A_519 = vector.broadcast %add3A_516 : i32 to vector<16xi32>
        %add3A_520 = arith.addi %broadcast_in_dim3A_518, %add3A_519 : vector<16xi32>
        %broadcast_in_dim3A_521 = arith.constant 0 : i32
        %broadcast_in_dim3A_522 = vector.broadcast %broadcast_in_dim3A_521 : i32 to vector<16xi32>
        %add3A_523 = arith.constant 0 : i32
        %add3A_524 = arith.addi %add3A_523, %add3A_516 : i32
        %get3A_525 = arith.constant 1 : i32
        %get3A_526 = arith.index_cast %get3A_525 : i32 to index
        %get3A_527 = arith.index_cast %add3A_524 : i32 to index
        %get3A_528 = arith.constant 0 : index
        %get3A_529 = tpu.vector_load %arg7[%get3A_526, %get3A_527, %get3A_528] {strides = array<i32>} : memref<2x512x32xf32, #tpu.memory_space<vmem>>, vector<16xf32>,
        %get3A_530 = arith.constant 1 : i32
        %get3A_531 = arith.index_cast %get3A_530 : i32 to index
        %get3A_532 = arith.index_cast %add3A_524 : i32 to index
        %get3A_533 = arith.constant 16 : index
        %get3A_534 = tpu.vector_load %arg7[%get3A_531, %get3A_532, %get3A_533] {strides = array<i32>} : memref<2x512x32xf32, #tpu.memory_space<vmem>>, vector<16xf32>,
        %scatter3A_535 = arith.constant 1 : i32
        %scatter3A_536 = arith.constant 0 : i32
        %scatter3A_537 = arith.constant 0 : i32
        %scatter3A_538 = arith.constant 0 : i32
        %scatter3A_539 = arith.constant 0 : i32
        %scatter3A_540 = tpu.memref_slice %arg8[%scatter3A_535, %scatter3A_536, %scatter3A_537, %scatter3A_538, %scatter3A_539] : memref<2x4x4x8x128xf32, #tpu.memory_space<vmem>> -> memref<1x4x4x8x128xf32, #tpu.memory_space<vmem>>
        %scatter3A_541 = tpu.memref_squeeze %scatter3A_540 : memref<1x4x4x8x128xf32, #tpu.memory_space<vmem>> -> memref<4x4x8x128xf32, #tpu.memory_space<vmem>>
        tpu.vector_store_idx %scatter3A_541[%select_n3A, %broadcast_in_dim3A_522, %select_n3A_53, %add3A_520], %get3A_529 : memref<4x4x8x128xf32, #tpu.memory_space<vmem>>[vector<16xi32>, vector<16xi32>, vector<16xi32>, vector<16xi32>], vector<16xf32>,
        %scatter3A_542 = arith.constant 1 : i32
        %scatter3A_543 = arith.constant 0 : i32
        %scatter3A_544 = arith.constant 0 : i32
        %scatter3A_545 = arith.constant 0 : i32
        %scatter3A_546 = arith.constant 0 : i32
        %scatter3A_547 = tpu.memref_slice %arg8[%scatter3A_542, %scatter3A_543, %scatter3A_544, %scatter3A_545, %scatter3A_546] : memref<2x4x4x8x128xf32, #tpu.memory_space<vmem>> -> memref<1x4x4x8x128xf32, #tpu.memory_space<vmem>>
        %scatter3A_548 = tpu.memref_squeeze %scatter3A_547 : memref<1x4x4x8x128xf32, #tpu.memory_space<vmem>> -> memref<4x4x8x128xf32, #tpu.memory_space<vmem>>
        tpu.vector_store_idx %scatter3A_548[%add3A_56, %broadcast_in_dim3A_522, %select_n3A_53, %add3A_520], %get3A_534 : memref<4x4x8x128xf32, #tpu.memory_space<vmem>>[vector<16xi32>, vector<16xi32>, vector<16xi32>, vector<16xi32>], vector<16xf32>,
        %broadcast_in_dim3A_549 = arith.constant 1 : i32
        %broadcast_in_dim3A_550 = vector.broadcast %broadcast_in_dim3A_549 : i32 to vector<16xi32>
        %add3A_551 = arith.constant 128 : i32
        %add3A_552 = arith.addi %add3A_551, %add3A_516 : i32
        %get3A_553 = arith.constant 1 : i32
        %get3A_554 = arith.index_cast %get3A_553 : i32 to index
        %get3A_555 = arith.index_cast %add3A_552 : i32 to index
        %get3A_556 = arith.constant 0 : index
        %get3A_557 = tpu.vector_load %arg7[%get3A_554, %get3A_555, %get3A_556] {strides = array<i32>} : memref<2x512x32xf32, #tpu.memory_space<vmem>>, vector<16xf32>,
        %get3A_558 = arith.constant 1 : i32
        %get3A_559 = arith.index_cast %get3A_558 : i32 to index
        %get3A_560 = arith.index_cast %add3A_552 : i32 to index
        %get3A_561 = arith.constant 16 : index
        %get3A_562 = tpu.vector_load %arg7[%get3A_559, %get3A_560, %get3A_561] {strides = array<i32>} : memref<2x512x32xf32, #tpu.memory_space<vmem>>, vector<16xf32>,
        %scatter3A_563 = arith.constant 1 : i32
        %scatter3A_564 = arith.constant 0 : i32
        %scatter3A_565 = arith.constant 0 : i32
        %scatter3A_566 = arith.constant 0 : i32
        %scatter3A_567 = arith.constant 0 : i32
        %scatter3A_568 = tpu.memref_slice %arg8[%scatter3A_563, %scatter3A_564, %scatter3A_565, %scatter3A_566, %scatter3A_567] : memref<2x4x4x8x128xf32, #tpu.memory_space<vmem>> -> memref<1x4x4x8x128xf32, #tpu.memory_space<vmem>>
        %scatter3A_569 = tpu.memref_squeeze %scatter3A_568 : memref<1x4x4x8x128xf32, #tpu.memory_space<vmem>> -> memref<4x4x8x128xf32, #tpu.memory_space<vmem>>
        tpu.vector_store_idx %scatter3A_569[%select_n3A, %broadcast_in_dim3A_550, %select_n3A_53, %add3A_520], %get3A_557 : memref<4x4x8x128xf32, #tpu.memory_space<vmem>>[vector<16xi32>, vector<16xi32>, vector<16xi32>, vector<16xi32>], vector<16xf32>,
        %scatter3A_570 = arith.constant 1 : i32
        %scatter3A_571 = arith.constant 0 : i32
        %scatter3A_572 = arith.constant 0 : i32
        %scatter3A_573 = arith.constant 0 : i32
        %scatter3A_574 = arith.constant 0 : i32
        %scatter3A_575 = tpu.memref_slice %arg8[%scatter3A_570, %scatter3A_571, %scatter3A_572, %scatter3A_573, %scatter3A_574] : memref<2x4x4x8x128xf32, #tpu.memory_space<vmem>> -> memref<1x4x4x8x128xf32, #tpu.memory_space<vmem>>
        %scatter3A_576 = tpu.memref_squeeze %scatter3A_575 : memref<1x4x4x8x128xf32, #tpu.memory_space<vmem>> -> memref<4x4x8x128xf32, #tpu.memory_space<vmem>>
        tpu.vector_store_idx %scatter3A_576[%add3A_56, %broadcast_in_dim3A_550, %select_n3A_53, %add3A_520], %get3A_562 : memref<4x4x8x128xf32, #tpu.memory_space<vmem>>[vector<16xi32>, vector<16xi32>, vector<16xi32>, vector<16xi32>], vector<16xf32>,
        %broadcast_in_dim3A_577 = arith.constant 2 : i32
        %broadcast_in_dim3A_578 = vector.broadcast %broadcast_in_dim3A_577 : i32 to vector<16xi32>
        %add3A_579 = arith.constant 256 : i32
        %add3A_580 = arith.addi %add3A_579, %add3A_516 : i32
        %get3A_581 = arith.constant 1 : i32
        %get3A_582 = arith.index_cast %get3A_581 : i32 to index
        %get3A_583 = arith.index_cast %add3A_580 : i32 to index
        %get3A_584 = arith.constant 0 : index
        %get3A_585 = tpu.vector_load %arg7[%get3A_582, %get3A_583, %get3A_584] {strides = array<i32>} : memref<2x512x32xf32, #tpu.memory_space<vmem>>, vector<16xf32>,
        %get3A_586 = arith.constant 1 : i32
        %get3A_587 = arith.index_cast %get3A_586 : i32 to index
        %get3A_588 = arith.index_cast %add3A_580 : i32 to index
        %get3A_589 = arith.constant 16 : index
        %get3A_590 = tpu.vector_load %arg7[%get3A_587, %get3A_588, %get3A_589] {strides = array<i32>} : memref<2x512x32xf32, #tpu.memory_space<vmem>>, vector<16xf32>,
        %scatter3A_591 = arith.constant 1 : i32
        %scatter3A_592 = arith.constant 0 : i32
        %scatter3A_593 = arith.constant 0 : i32
        %scatter3A_594 = arith.constant 0 : i32
        %scatter3A_595 = arith.constant 0 : i32
        %scatter3A_596 = tpu.memref_slice %arg8[%scatter3A_591, %scatter3A_592, %scatter3A_593, %scatter3A_594, %scatter3A_595] : memref<2x4x4x8x128xf32, #tpu.memory_space<vmem>> -> memref<1x4x4x8x128xf32, #tpu.memory_space<vmem>>
        %scatter3A_597 = tpu.memref_squeeze %scatter3A_596 : memref<1x4x4x8x128xf32, #tpu.memory_space<vmem>> -> memref<4x4x8x128xf32, #tpu.memory_space<vmem>>
        tpu.vector_store_idx %scatter3A_597[%select_n3A, %broadcast_in_dim3A_578, %select_n3A_53, %add3A_520], %get3A_585 : memref<4x4x8x128xf32, #tpu.memory_space<vmem>>[vector<16xi32>, vector<16xi32>, vector<16xi32>, vector<16xi32>], vector<16xf32>,
        %scatter3A_598 = arith.constant 1 : i32
        %scatter3A_599 = arith.constant 0 : i32
        %scatter3A_600 = arith.constant 0 : i32
        %scatter3A_601 = arith.constant 0 : i32
        %scatter3A_602 = arith.constant 0 : i32
        %scatter3A_603 = tpu.memref_slice %arg8[%scatter3A_598, %scatter3A_599, %scatter3A_600, %scatter3A_601, %scatter3A_602] : memref<2x4x4x8x128xf32, #tpu.memory_space<vmem>> -> memref<1x4x4x8x128xf32, #tpu.memory_space<vmem>>
        %scatter3A_604 = tpu.memref_squeeze %scatter3A_603 : memref<1x4x4x8x128xf32, #tpu.memory_space<vmem>> -> memref<4x4x8x128xf32, #tpu.memory_space<vmem>>
        tpu.vector_store_idx %scatter3A_604[%add3A_56, %broadcast_in_dim3A_578, %select_n3A_53, %add3A_520], %get3A_590 : memref<4x4x8x128xf32, #tpu.memory_space<vmem>>[vector<16xi32>, vector<16xi32>, vector<16xi32>, vector<16xi32>], vector<16xf32>,
        %broadcast_in_dim3A_605 = arith.constant 3 : i32
        %broadcast_in_dim3A_606 = vector.broadcast %broadcast_in_dim3A_605 : i32 to vector<16xi32>
        %add3A_607 = arith.constant 384 : i32
        %add3A_608 = arith.addi %add3A_607, %add3A_516 : i32
        %get3A_609 = arith.constant 1 : i32
        %get3A_610 = arith.index_cast %get3A_609 : i32 to index
        %get3A_611 = arith.index_cast %add3A_608 : i32 to index
        %get3A_612 = arith.constant 0 : index
        %get3A_613 = tpu.vector_load %arg7[%get3A_610, %get3A_611, %get3A_612] {strides = array<i32>} : memref<2x512x32xf32, #tpu.memory_space<vmem>>, vector<16xf32>,
        %get3A_614 = arith.constant 1 : i32
        %get3A_615 = arith.index_cast %get3A_614 : i32 to index
        %get3A_616 = arith.index_cast %add3A_608 : i32 to index
        %get3A_617 = arith.constant 16 : index
        %get3A_618 = tpu.vector_load %arg7[%get3A_615, %get3A_616, %get3A_617] {strides = array<i32>} : memref<2x512x32xf32, #tpu.memory_space<vmem>>, vector<16xf32>,
        %scatter3A_619 = arith.constant 1 : i32
        %scatter3A_620 = arith.constant 0 : i32
        %scatter3A_621 = arith.constant 0 : i32
        %scatter3A_622 = arith.constant 0 : i32
        %scatter3A_623 = arith.constant 0 : i32
        %scatter3A_624 = tpu.memref_slice %arg8[%scatter3A_619, %scatter3A_620, %scatter3A_621, %scatter3A_622, %scatter3A_623] : memref<2x4x4x8x128xf32, #tpu.memory_space<vmem>> -> memref<1x4x4x8x128xf32, #tpu.memory_space<vmem>>
        %scatter3A_625 = tpu.memref_squeeze %scatter3A_624 : memref<1x4x4x8x128xf32, #tpu.memory_space<vmem>> -> memref<4x4x8x128xf32, #tpu.memory_space<vmem>>
        tpu.vector_store_idx %scatter3A_625[%select_n3A, %broadcast_in_dim3A_606, %select_n3A_53, %add3A_520], %get3A_613 : memref<4x4x8x128xf32, #tpu.memory_space<vmem>>[vector<16xi32>, vector<16xi32>, vector<16xi32>, vector<16xi32>], vector<16xf32>,
        %scatter3A_626 = arith.constant 1 : i32
        %scatter3A_627 = arith.constant 0 : i32
        %scatter3A_628 = arith.constant 0 : i32
        %scatter3A_629 = arith.constant 0 : i32
        %scatter3A_630 = arith.constant 0 : i32
        %scatter3A_631 = tpu.memref_slice %arg8[%scatter3A_626, %scatter3A_627, %scatter3A_628, %scatter3A_629, %scatter3A_630] : memref<2x4x4x8x128xf32, #tpu.memory_space<vmem>> -> memref<1x4x4x8x128xf32, #tpu.memory_space<vmem>>
        %scatter3A_632 = tpu.memref_squeeze %scatter3A_631 : memref<1x4x4x8x128xf32, #tpu.memory_space<vmem>> -> memref<4x4x8x128xf32, #tpu.memory_space<vmem>>
        tpu.vector_store_idx %scatter3A_632[%add3A_56, %broadcast_in_dim3A_606, %select_n3A_53, %add3A_520], %get3A_618 : memref<4x4x8x128xf32, #tpu.memory_space<vmem>>[vector<16xi32>, vector<16xi32>, vector<16xi32>, vector<16xi32>], vector<16xf32>,
        %mul3A_633 = arith.constant 4 : i32
        %mul3A_634 = arith.muli %scan3A_275, %mul3A_633 : i32
        %add3A_635 = arith.constant 3 : i32
        %add3A_636 = arith.addi %mul3A_634, %add3A_635 : i32
        %broadcast_in_dim3A_637 = arith.constant 0 : i32
        %broadcast_in_dim3A_638 = vector.broadcast %broadcast_in_dim3A_637 : i32 to vector<16xi32>
        %add3A_639 = vector.broadcast %add3A_636 : i32 to vector<16xi32>
        %add3A_640 = arith.addi %broadcast_in_dim3A_638, %add3A_639 : vector<16xi32>
        %broadcast_in_dim3A_641 = arith.constant 0 : i32
        %broadcast_in_dim3A_642 = vector.broadcast %broadcast_in_dim3A_641 : i32 to vector<16xi32>
        %add3A_643 = arith.constant 0 : i32
        %add3A_644 = arith.addi %add3A_643, %add3A_636 : i32
        %get3A_645 = arith.constant 1 : i32
        %get3A_646 = arith.index_cast %get3A_645 : i32 to index
        %get3A_647 = arith.index_cast %add3A_644 : i32 to index
        %get3A_648 = arith.constant 0 : index
        %get3A_649 = tpu.vector_load %arg7[%get3A_646, %get3A_647, %get3A_648] {strides = array<i32>} : memref<2x512x32xf32, #tpu.memory_space<vmem>>, vector<16xf32>,
        %get3A_650 = arith.constant 1 : i32
        %get3A_651 = arith.index_cast %get3A_650 : i32 to index
        %get3A_652 = arith.index_cast %add3A_644 : i32 to index
        %get3A_653 = arith.constant 16 : index
        %get3A_654 = tpu.vector_load %arg7[%get3A_651, %get3A_652, %get3A_653] {strides = array<i32>} : memref<2x512x32xf32, #tpu.memory_space<vmem>>, vector<16xf32>,
        %scatter3A_655 = arith.constant 1 : i32
        %scatter3A_656 = arith.constant 0 : i32
        %scatter3A_657 = arith.constant 0 : i32
        %scatter3A_658 = arith.constant 0 : i32
        %scatter3A_659 = arith.constant 0 : i32
        %scatter3A_660 = tpu.memref_slice %arg8[%scatter3A_655, %scatter3A_656, %scatter3A_657, %scatter3A_658, %scatter3A_659] : memref<2x4x4x8x128xf32, #tpu.memory_space<vmem>> -> memref<1x4x4x8x128xf32, #tpu.memory_space<vmem>>
        %scatter3A_661 = tpu.memref_squeeze %scatter3A_660 : memref<1x4x4x8x128xf32, #tpu.memory_space<vmem>> -> memref<4x4x8x128xf32, #tpu.memory_space<vmem>>
        tpu.vector_store_idx %scatter3A_661[%select_n3A, %broadcast_in_dim3A_642, %select_n3A_53, %add3A_640], %get3A_649 : memref<4x4x8x128xf32, #tpu.memory_space<vmem>>[vector<16xi32>, vector<16xi32>, vector<16xi32>, vector<16xi32>], vector<16xf32>,
        %scatter3A_662 = arith.constant 1 : i32
        %scatter3A_663 = arith.constant 0 : i32
        %scatter3A_664 = arith.constant 0 : i32
        %scatter3A_665 = arith.constant 0 : i32
        %scatter3A_666 = arith.constant 0 : i32
        %scatter3A_667 = tpu.memref_slice %arg8[%scatter3A_662, %scatter3A_663, %scatter3A_664, %scatter3A_665, %scatter3A_666] : memref<2x4x4x8x128xf32, #tpu.memory_space<vmem>> -> memref<1x4x4x8x128xf32, #tpu.memory_space<vmem>>
        %scatter3A_668 = tpu.memref_squeeze %scatter3A_667 : memref<1x4x4x8x128xf32, #tpu.memory_space<vmem>> -> memref<4x4x8x128xf32, #tpu.memory_space<vmem>>
        tpu.vector_store_idx %scatter3A_668[%add3A_56, %broadcast_in_dim3A_642, %select_n3A_53, %add3A_640], %get3A_654 : memref<4x4x8x128xf32, #tpu.memory_space<vmem>>[vector<16xi32>, vector<16xi32>, vector<16xi32>, vector<16xi32>], vector<16xf32>,
        %broadcast_in_dim3A_669 = arith.constant 1 : i32
        %broadcast_in_dim3A_670 = vector.broadcast %broadcast_in_dim3A_669 : i32 to vector<16xi32>
        %add3A_671 = arith.constant 128 : i32
        %add3A_672 = arith.addi %add3A_671, %add3A_636 : i32
        %get3A_673 = arith.constant 1 : i32
        %get3A_674 = arith.index_cast %get3A_673 : i32 to index
        %get3A_675 = arith.index_cast %add3A_672 : i32 to index
        %get3A_676 = arith.constant 0 : index
        %get3A_677 = tpu.vector_load %arg7[%get3A_674, %get3A_675, %get3A_676] {strides = array<i32>} : memref<2x512x32xf32, #tpu.memory_space<vmem>>, vector<16xf32>,
        %get3A_678 = arith.constant 1 : i32
        %get3A_679 = arith.index_cast %get3A_678 : i32 to index
        %get3A_680 = arith.index_cast %add3A_672 : i32 to index
        %get3A_681 = arith.constant 16 : index
        %get3A_682 = tpu.vector_load %arg7[%get3A_679, %get3A_680, %get3A_681] {strides = array<i32>} : memref<2x512x32xf32, #tpu.memory_space<vmem>>, vector<16xf32>,
        %scatter3A_683 = arith.constant 1 : i32
        %scatter3A_684 = arith.constant 0 : i32
        %scatter3A_685 = arith.constant 0 : i32
        %scatter3A_686 = arith.constant 0 : i32
        %scatter3A_687 = arith.constant 0 : i32
        %scatter3A_688 = tpu.memref_slice %arg8[%scatter3A_683, %scatter3A_684, %scatter3A_685, %scatter3A_686, %scatter3A_687] : memref<2x4x4x8x128xf32, #tpu.memory_space<vmem>> -> memref<1x4x4x8x128xf32, #tpu.memory_space<vmem>>
        %scatter3A_689 = tpu.memref_squeeze %scatter3A_688 : memref<1x4x4x8x128xf32, #tpu.memory_space<vmem>> -> memref<4x4x8x128xf32, #tpu.memory_space<vmem>>
        tpu.vector_store_idx %scatter3A_689[%select_n3A, %broadcast_in_dim3A_670, %select_n3A_53, %add3A_640], %get3A_677 : memref<4x4x8x128xf32, #tpu.memory_space<vmem>>[vector<16xi32>, vector<16xi32>, vector<16xi32>, vector<16xi32>], vector<16xf32>,
        %scatter3A_690 = arith.constant 1 : i32
        %scatter3A_691 = arith.constant 0 : i32
        %scatter3A_692 = arith.constant 0 : i32
        %scatter3A_693 = arith.constant 0 : i32
        %scatter3A_694 = arith.constant 0 : i32
        %scatter3A_695 = tpu.memref_slice %arg8[%scatter3A_690, %scatter3A_691, %scatter3A_692, %scatter3A_693, %scatter3A_694] : memref<2x4x4x8x128xf32, #tpu.memory_space<vmem>> -> memref<1x4x4x8x128xf32, #tpu.memory_space<vmem>>
        %scatter3A_696 = tpu.memref_squeeze %scatter3A_695 : memref<1x4x4x8x128xf32, #tpu.memory_space<vmem>> -> memref<4x4x8x128xf32, #tpu.memory_space<vmem>>
        tpu.vector_store_idx %scatter3A_696[%add3A_56, %broadcast_in_dim3A_670, %select_n3A_53, %add3A_640], %get3A_682 : memref<4x4x8x128xf32, #tpu.memory_space<vmem>>[vector<16xi32>, vector<16xi32>, vector<16xi32>, vector<16xi32>], vector<16xf32>,
        %broadcast_in_dim3A_697 = arith.constant 2 : i32
        %broadcast_in_dim3A_698 = vector.broadcast %broadcast_in_dim3A_697 : i32 to vector<16xi32>
        %add3A_699 = arith.constant 256 : i32
        %add3A_700 = arith.addi %add3A_699, %add3A_636 : i32
        %get3A_701 = arith.constant 1 : i32
        %get3A_702 = arith.index_cast %get3A_701 : i32 to index
        %get3A_703 = arith.index_cast %add3A_700 : i32 to index
        %get3A_704 = arith.constant 0 : index
        %get3A_705 = tpu.vector_load %arg7[%get3A_702, %get3A_703, %get3A_704] {strides = array<i32>} : memref<2x512x32xf32, #tpu.memory_space<vmem>>, vector<16xf32>,
        %get3A_706 = arith.constant 1 : i32
        %get3A_707 = arith.index_cast %get3A_706 : i32 to index
        %get3A_708 = arith.index_cast %add3A_700 : i32 to index
        %get3A_709 = arith.constant 16 : index
        %get3A_710 = tpu.vector_load %arg7[%get3A_707, %get3A_708, %get3A_709] {strides = array<i32>} : memref<2x512x32xf32, #tpu.memory_space<vmem>>, vector<16xf32>,
        %scatter3A_711 = arith.constant 1 : i32
        %scatter3A_712 = arith.constant 0 : i32
        %scatter3A_713 = arith.constant 0 : i32
        %scatter3A_714 = arith.constant 0 : i32
        %scatter3A_715 = arith.constant 0 : i32
        %scatter3A_716 = tpu.memref_slice %arg8[%scatter3A_711, %scatter3A_712, %scatter3A_713, %scatter3A_714, %scatter3A_715] : memref<2x4x4x8x128xf32, #tpu.memory_space<vmem>> -> memref<1x4x4x8x128xf32, #tpu.memory_space<vmem>>
        %scatter3A_717 = tpu.memref_squeeze %scatter3A_716 : memref<1x4x4x8x128xf32, #tpu.memory_space<vmem>> -> memref<4x4x8x128xf32, #tpu.memory_space<vmem>>
        tpu.vector_store_idx %scatter3A_717[%select_n3A, %broadcast_in_dim3A_698, %select_n3A_53, %add3A_640], %get3A_705 : memref<4x4x8x128xf32, #tpu.memory_space<vmem>>[vector<16xi32>, vector<16xi32>, vector<16xi32>, vector<16xi32>], vector<16xf32>,
        %scatter3A_718 = arith.constant 1 : i32
        %scatter3A_719 = arith.constant 0 : i32
        %scatter3A_720 = arith.constant 0 : i32
        %scatter3A_721 = arith.constant 0 : i32
        %scatter3A_722 = arith.constant 0 : i32
        %scatter3A_723 = tpu.memref_slice %arg8[%scatter3A_718, %scatter3A_719, %scatter3A_720, %scatter3A_721, %scatter3A_722] : memref<2x4x4x8x128xf32, #tpu.memory_space<vmem>> -> memref<1x4x4x8x128xf32, #tpu.memory_space<vmem>>
        %scatter3A_724 = tpu.memref_squeeze %scatter3A_723 : memref<1x4x4x8x128xf32, #tpu.memory_space<vmem>> -> memref<4x4x8x128xf32, #tpu.memory_space<vmem>>
        tpu.vector_store_idx %scatter3A_724[%add3A_56, %broadcast_in_dim3A_698, %select_n3A_53, %add3A_640], %get3A_710 : memref<4x4x8x128xf32, #tpu.memory_space<vmem>>[vector<16xi32>, vector<16xi32>, vector<16xi32>, vector<16xi32>], vector<16xf32>,
        %broadcast_in_dim3A_725 = arith.constant 3 : i32
        %broadcast_in_dim3A_726 = vector.broadcast %broadcast_in_dim3A_725 : i32 to vector<16xi32>
        %add3A_727 = arith.constant 384 : i32
        %add3A_728 = arith.addi %add3A_727, %add3A_636 : i32
        %get3A_729 = arith.constant 1 : i32
        %get3A_730 = arith.index_cast %get3A_729 : i32 to index
        %get3A_731 = arith.index_cast %add3A_728 : i32 to index
        %get3A_732 = arith.constant 0 : index
        %get3A_733 = tpu.vector_load %arg7[%get3A_730, %get3A_731, %get3A_732] {strides = array<i32>} : memref<2x512x32xf32, #tpu.memory_space<vmem>>, vector<16xf32>,
        %get3A_734 = arith.constant 1 : i32
        %get3A_735 = arith.index_cast %get3A_734 : i32 to index
        %get3A_736 = arith.index_cast %add3A_728 : i32 to index
        %get3A_737 = arith.constant 16 : index
        %get3A_738 = tpu.vector_load %arg7[%get3A_735, %get3A_736, %get3A_737] {strides = array<i32>} : memref<2x512x32xf32, #tpu.memory_space<vmem>>, vector<16xf32>,
        %scatter3A_739 = arith.constant 1 : i32
        %scatter3A_740 = arith.constant 0 : i32
        %scatter3A_741 = arith.constant 0 : i32
        %scatter3A_742 = arith.constant 0 : i32
        %scatter3A_743 = arith.constant 0 : i32
        %scatter3A_744 = tpu.memref_slice %arg8[%scatter3A_739, %scatter3A_740, %scatter3A_741, %scatter3A_742, %scatter3A_743] : memref<2x4x4x8x128xf32, #tpu.memory_space<vmem>> -> memref<1x4x4x8x128xf32, #tpu.memory_space<vmem>>
        %scatter3A_745 = tpu.memref_squeeze %scatter3A_744 : memref<1x4x4x8x128xf32, #tpu.memory_space<vmem>> -> memref<4x4x8x128xf32, #tpu.memory_space<vmem>>
        tpu.vector_store_idx %scatter3A_745[%select_n3A, %broadcast_in_dim3A_726, %select_n3A_53, %add3A_640], %get3A_733 : memref<4x4x8x128xf32, #tpu.memory_space<vmem>>[vector<16xi32>, vector<16xi32>, vector<16xi32>, vector<16xi32>], vector<16xf32>,
        %scatter3A_746 = arith.constant 1 : i32
        %scatter3A_747 = arith.constant 0 : i32
        %scatter3A_748 = arith.constant 0 : i32
        %scatter3A_749 = arith.constant 0 : i32
        %scatter3A_750 = arith.constant 0 : i32
        %scatter3A_751 = tpu.memref_slice %arg8[%scatter3A_746, %scatter3A_747, %scatter3A_748, %scatter3A_749, %scatter3A_750] : memref<2x4x4x8x128xf32, #tpu.memory_space<vmem>> -> memref<1x4x4x8x128xf32, #tpu.memory_space<vmem>>
        %scatter3A_752 = tpu.memref_squeeze %scatter3A_751 : memref<1x4x4x8x128xf32, #tpu.memory_space<vmem>> -> memref<4x4x8x128xf32, #tpu.memory_space<vmem>>
        tpu.vector_store_idx %scatter3A_752[%add3A_56, %broadcast_in_dim3A_726, %select_n3A_53, %add3A_640], %get3A_738 : memref<4x4x8x128xf32, #tpu.memory_space<vmem>>[vector<16xi32>, vector<16xi32>, vector<16xi32>, vector<16xi32>], vector<16xf32>,
      }
      %scan3A_239 = arith.constant 32 : i32
      %mul3A_240 = arith.constant 4 : i32
      %mul3A_241 = arith.muli %add3A, %mul3A_240 : i32
      %dma_start3A_242 = arith.constant 1 : i32
      %dma_start3A_243 = arith.constant 0 : i32
      %dma_start3A_244 = arith.constant 0 : i32
      %dma_start3A_245 = arith.constant 0 : i32
      %dma_start3A_246 = arith.constant 0 : i32
      %dma_start3A_247 = tpu.memref_slice %arg8[%dma_start3A_242, %dma_start3A_243, %dma_start3A_244, %dma_start3A_245, %dma_start3A_246] : memref<2x4x4x8x128xf32, #tpu.memory_space<vmem>> -> memref<1x4x4x8x128xf32, #tpu.memory_space<vmem>>
      %dma_start3A_248 = tpu.memref_squeeze %dma_start3A_247 : memref<1x4x4x8x128xf32, #tpu.memory_space<vmem>> -> memref<4x4x8x128xf32, #tpu.memory_space<vmem>>
      %dma_start3A_249 = arith.constant 0 : i32
      %dma_start3A_250 = arith.constant 0 : i32
      %dma_start3A_251 = arith.constant 0 : i32
      %dma_start3A_252 = arith.constant 0 : i32
      %dma_start3A_253 = tpu.memref_slice %arg4[%add3A_147, %dma_start3A_249, %dma_start3A_250, %dma_start3A_251, %dma_start3A_252] : memref<50x4x128x8x128xf32, #tpu.memory_space<hbm>> -> memref<1x4x128x8x128xf32, #tpu.memory_space<hbm>>
      %dma_start3A_254 = tpu.memref_squeeze %dma_start3A_253 : memref<1x4x128x8x128xf32, #tpu.memory_space<hbm>> -> memref<4x128x8x128xf32, #tpu.memory_space<hbm>>
      %dma_start3A_255 = arith.constant 0 : i32
      %dma_start3A_256 = arith.constant 0 : i32
      %dma_start3A_257 = arith.constant 0 : i32
      %dma_start3A_258 = tpu.memref_slice %dma_start3A_254[%dma_start3A_255, %mul3A_241, %dma_start3A_256, %dma_start3A_257] : memref<4x128x8x128xf32, #tpu.memory_space<hbm>> -> memref<4x4x8x128xf32, #tpu.memory_space<hbm>>
      %dma_start3A_259 = arith.constant 0 : i32
      %dma_start3A_260 = arith.constant 0 : i32
      %dma_start3A_261 = arith.constant 0 : i32
      %dma_start3A_262 = arith.constant 0 : i32
      %dma_start3A_263 = tpu.memref_slice %arg4[%add3A_147, %dma_start3A_259, %dma_start3A_260, %dma_start3A_261, %dma_start3A_262] : memref<50x4x128x8x128xf32, #tpu.memory_space<hbm>> -> memref<1x4x128x8x128xf32, #tpu.memory_space<hbm>>
      %dma_start3A_264 = tpu.memref_squeeze %dma_start3A_263 : memref<1x4x128x8x128xf32, #tpu.memory_space<hbm>> -> memref<4x128x8x128xf32, #tpu.memory_space<hbm>>
      %dma_start3A_265 = arith.constant 0 : i32
      %dma_start3A_266 = arith.constant 0 : i32
      %dma_start3A_267 = arith.constant 0 : i32
      %dma_start3A_268 = tpu.memref_slice %dma_start3A_264[%dma_start3A_265, %mul3A_241, %dma_start3A_266, %dma_start3A_267] : memref<4x128x8x128xf32, #tpu.memory_space<hbm>> -> memref<4x4x8x128xf32, #tpu.memory_space<hbm>>
      %dma_start3A_269 = arith.constant 0 : i32
      %dma_start3A_270 = arith.constant 0 : i32
      %dma_start3A_271 = arith.constant 0 : i32
      %dma_start3A_272 = arith.constant 0 : i32
      %dma_start3A_273 = tpu.memref_slice %arg8[%dma_start3A_242, %dma_start3A_269, %dma_start3A_270, %dma_start3A_271, %dma_start3A_272] : memref<2x4x4x8x128xf32, #tpu.memory_space<vmem>> -> memref<1x4x4x8x128xf32, #tpu.memory_space<vmem>>
      %dma_start3A_274 = tpu.memref_squeeze %dma_start3A_273 : memref<1x4x4x8x128xf32, #tpu.memory_space<vmem>> -> memref<4x4x8x128xf32, #tpu.memory_space<vmem>>
      tpu.enqueue_dma source(%dma_start3A_274 : memref<4x4x8x128xf32, #tpu.memory_space<vmem>>) target(%dma_start3A_268 : memref<4x4x8x128xf32, #tpu.memory_space<hbm>>) target_semaphore(%arg12 : memref<!tpu.dma_semaphore, #tpu.memory_space<semaphore_mem>>)
    }
    %scan3A_71 = arith.constant 25 : i32
    %dma_wait3A = arith.constant 0 : i32
    %dma_wait3A_72 = arith.constant 0 : i32
    %dma_wait3A_73 = arith.constant 0 : i32
    %dma_wait3A_74 = arith.constant 0 : i32
    %dma_wait3A_75 = arith.constant 0 : i32
    %dma_wait3A_76 = arith.constant 0 : i32
    %dma_wait3A_77 = tpu.memref_slice %arg8[%dma_wait3A_72, %dma_wait3A_73, %dma_wait3A_74, %dma_wait3A_75, %dma_wait3A_76] : memref<2x4x4x8x128xf32, #tpu.memory_space<vmem>> -> memref<1x4x4x8x128xf32, #tpu.memory_space<vmem>>
    %dma_wait3A_78 = tpu.memref_squeeze %dma_wait3A_77 : memref<1x4x4x8x128xf32, #tpu.memory_space<vmem>> -> memref<4x4x8x128xf32, #tpu.memory_space<vmem>>
    %dma_wait3A_79 = arith.constant 0 : i32
    %dma_wait3A_80 = arith.constant 0 : i32
    %dma_wait3A_81 = arith.constant 0 : i32
    %dma_wait3A_82 = arith.constant 0 : i32
    %dma_wait3A_83 = tpu.memref_slice %arg4[%dma_wait3A, %dma_wait3A_79, %dma_wait3A_80, %dma_wait3A_81, %dma_wait3A_82] : memref<50x4x128x8x128xf32, #tpu.memory_space<hbm>> -> memref<1x4x128x8x128xf32, #tpu.memory_space<hbm>>
    %dma_wait3A_84 = tpu.memref_squeeze %dma_wait3A_83 : memref<1x4x128x8x128xf32, #tpu.memory_space<hbm>> -> memref<4x128x8x128xf32, #tpu.memory_space<hbm>>
    %dma_wait3A_85 = arith.constant 0 : i32
    %dma_wait3A_86 = arith.constant 0 : i32
    %dma_wait3A_87 = arith.constant 0 : i32
    %dma_wait3A_88 = arith.constant 0 : i32
    %dma_wait3A_89 = tpu.memref_slice %dma_wait3A_84[%dma_wait3A_85, %dma_wait3A_86, %dma_wait3A_87, %dma_wait3A_88] : memref<4x128x8x128xf32, #tpu.memory_space<hbm>> -> memref<4x4x8x128xf32, #tpu.memory_space<hbm>>
    %dma_wait3A_90 = arith.constant 0 : i32
    %dma_wait3A_91 = arith.constant 0 : i32
    %dma_wait3A_92 = arith.constant 0 : i32
    %dma_wait3A_93 = arith.constant 0 : i32
    %dma_wait3A_94 = tpu.memref_slice %arg8[%dma_wait3A_72, %dma_wait3A_90, %dma_wait3A_91, %dma_wait3A_92, %dma_wait3A_93] : memref<2x4x4x8x128xf32, #tpu.memory_space<vmem>> -> memref<1x4x4x8x128xf32, #tpu.memory_space<vmem>>
    %dma_wait3A_95 = tpu.memref_squeeze %dma_wait3A_94 : memref<1x4x4x8x128xf32, #tpu.memory_space<vmem>> -> memref<4x4x8x128xf32, #tpu.memory_space<vmem>>
    %dma_wait3A_96 = arith.constant 0 : i32
    %dma_wait3A_97 = arith.constant 0 : i32
    %dma_wait3A_98 = arith.constant 0 : i32
    %dma_wait3A_99 = arith.constant 0 : i32
    %dma_wait3A_100 = tpu.memref_slice %arg4[%dma_wait3A, %dma_wait3A_96, %dma_wait3A_97, %dma_wait3A_98, %dma_wait3A_99] : memref<50x4x128x8x128xf32, #tpu.memory_space<hbm>> -> memref<1x4x128x8x128xf32, #tpu.memory_space<hbm>>
    %dma_wait3A_101 = tpu.memref_squeeze %dma_wait3A_100 : memref<1x4x128x8x128xf32, #tpu.memory_space<hbm>> -> memref<4x128x8x128xf32, #tpu.memory_space<hbm>>
    %dma_wait3A_102 = arith.constant 0 : i32
    %dma_wait3A_103 = arith.constant 0 : i32
    %dma_wait3A_104 = arith.constant 0 : i32
    %dma_wait3A_105 = arith.constant 0 : i32
    %dma_wait3A_106 = tpu.memref_slice %dma_wait3A_101[%dma_wait3A_102, %dma_wait3A_103, %dma_wait3A_104, %dma_wait3A_105] : memref<4x128x8x128xf32, #tpu.memory_space<hbm>> -> memref<4x4x8x128xf32, #tpu.memory_space<hbm>>
    tpu.wait_dma2 semaphore(%arg11 : memref<!tpu.dma_semaphore, #tpu.memory_space<semaphore_mem>>) src(%dma_wait3A_106 : memref<4x4x8x128xf32, #tpu.memory_space<hbm>>) dst(%dma_wait3A_95 : memref<4x4x8x128xf32, #tpu.memory_space<vmem>>)
    %dma_wait3A_107 = arith.constant 0 : i32
    %dma_wait3A_108 = arith.constant 1 : i32
    %dma_wait3A_109 = arith.constant 0 : i32
    %dma_wait3A_110 = arith.constant 0 : i32
    %dma_wait3A_111 = arith.constant 0 : i32
    %dma_wait3A_112 = arith.constant 0 : i32
    %dma_wait3A_113 = tpu.memref_slice %arg8[%dma_wait3A_108, %dma_wait3A_109, %dma_wait3A_110, %dma_wait3A_111, %dma_wait3A_112] : memref<2x4x4x8x128xf32, #tpu.memory_space<vmem>> -> memref<1x4x4x8x128xf32, #tpu.memory_space<vmem>>
    %dma_wait3A_114 = tpu.memref_squeeze %dma_wait3A_113 : memref<1x4x4x8x128xf32, #tpu.memory_space<vmem>> -> memref<4x4x8x128xf32, #tpu.memory_space<vmem>>
    %dma_wait3A_115 = arith.constant 0 : i32
    %dma_wait3A_116 = arith.constant 0 : i32
    %dma_wait3A_117 = arith.constant 0 : i32
    %dma_wait3A_118 = arith.constant 0 : i32
    %dma_wait3A_119 = tpu.memref_slice %arg4[%dma_wait3A_107, %dma_wait3A_115, %dma_wait3A_116, %dma_wait3A_117, %dma_wait3A_118] : memref<50x4x128x8x128xf32, #tpu.memory_space<hbm>> -> memref<1x4x128x8x128xf32, #tpu.memory_space<hbm>>
    %dma_wait3A_120 = tpu.memref_squeeze %dma_wait3A_119 : memref<1x4x128x8x128xf32, #tpu.memory_space<hbm>> -> memref<4x128x8x128xf32, #tpu.memory_space<hbm>>
    %dma_wait3A_121 = arith.constant 0 : i32
    %dma_wait3A_122 = arith.constant 0 : i32
    %dma_wait3A_123 = arith.constant 0 : i32
    %dma_wait3A_124 = arith.constant 0 : i32
    %dma_wait3A_125 = tpu.memref_slice %dma_wait3A_120[%dma_wait3A_121, %dma_wait3A_122, %dma_wait3A_123, %dma_wait3A_124] : memref<4x128x8x128xf32, #tpu.memory_space<hbm>> -> memref<4x4x8x128xf32, #tpu.memory_space<hbm>>
    %dma_wait3A_126 = arith.constant 0 : i32
    %dma_wait3A_127 = arith.constant 0 : i32
    %dma_wait3A_128 = arith.constant 0 : i32
    %dma_wait3A_129 = arith.constant 0 : i32
    %dma_wait3A_130 = tpu.memref_slice %arg8[%dma_wait3A_108, %dma_wait3A_126, %dma_wait3A_127, %dma_wait3A_128, %dma_wait3A_129] : memref<2x4x4x8x128xf32, #tpu.memory_space<vmem>> -> memref<1x4x4x8x128xf32, #tpu.memory_space<vmem>>
    %dma_wait3A_131 = tpu.memref_squeeze %dma_wait3A_130 : memref<1x4x4x8x128xf32, #tpu.memory_space<vmem>> -> memref<4x4x8x128xf32, #tpu.memory_space<vmem>>
    %dma_wait3A_132 = arith.constant 0 : i32
    %dma_wait3A_133 = arith.constant 0 : i32
    %dma_wait3A_134 = arith.constant 0 : i32
    %dma_wait3A_135 = arith.constant 0 : i32
    %dma_wait3A_136 = tpu.memref_slice %arg4[%dma_wait3A_107, %dma_wait3A_132, %dma_wait3A_133, %dma_wait3A_134, %dma_wait3A_135] : memref<50x4x128x8x128xf32, #tpu.memory_space<hbm>> -> memref<1x4x128x8x128xf32, #tpu.memory_space<hbm>>
    %dma_wait3A_137 = tpu.memref_squeeze %dma_wait3A_136 : memref<1x4x128x8x128xf32, #tpu.memory_space<hbm>> -> memref<4x128x8x128xf32, #tpu.memory_space<hbm>>
    %dma_wait3A_138 = arith.constant 0 : i32
    %dma_wait3A_139 = arith.constant 0 : i32
    %dma_wait3A_140 = arith.constant 0 : i32
    %dma_wait3A_141 = arith.constant 0 : i32
    %dma_wait3A_142 = tpu.memref_slice %dma_wait3A_137[%dma_wait3A_138, %dma_wait3A_139, %dma_wait3A_140, %dma_wait3A_141] : memref<4x128x8x128xf32, #tpu.memory_space<hbm>> -> memref<4x4x8x128xf32, #tpu.memory_space<hbm>>
    tpu.wait_dma2 semaphore(%arg12 : memref<!tpu.dma_semaphore, #tpu.memory_space<semaphore_mem>>) src(%dma_wait3A_142 : memref<4x4x8x128xf32, #tpu.memory_space<hbm>>) dst(%dma_wait3A_131 : memref<4x4x8x128xf32, #tpu.memory_space<vmem>>)
    return
  }
}

</mosaic_0001>

<sc_bundles>
// kernel: kernel.3.cloned.1.call-start
scs
__scs_entry_jumppad:
0x0: {  	(pc) =	sbr.rel $0x88, $3  }
0x1: {  	(tag) =	ssettag $0x0;
	lr =	simm.s32 $0x1  }
0x2: {  	[smem:$0x3F9F] =	sst lr;
	_ =	strace $0xD0000000  }
0x3: {  	_ = 	snop  }
0x4: {  	_ = 	snop  }
0x5: {  	_ = 	snop  }
0x6: {  	_ = 	snop  }
0x7: {  	_ = 	snop  }
__scs_overlays_trampoline_lowered:
0x8: {  	[smem:$0x3FAE] =	sst s0  }
0x9: {  	[smem:$0x3FAF] =	sst s1  }
0xa: {  	[smem:$0x3FB0] =	sst s2  }
0xb: {  	[smem:$0x3FB1] =	sst s3  }
0xc: {  	[smem:$0x3FB2] =	sst s4  }
0xd: {  	[smem:$0x3FB3] =	sst s5  }
0xe: {  	[smem:$0x3FB4] =	sst s6  }
0xf: {  	[smem:$0x3FB5] =	sst s7  }
0x10: {  	[smem:$0x3FB6] =	sst s8  }
0x11: {  	[smem:$0x3FB7] =	sst s9;
	s0 =	simm.s32 @!p0 $0x0  }
0x12: {  	s1 =	sld [smem:$0x3F9D];
	s0 =	simm.s32 @p0 $0x1  }
0x13: {  	[smem:$0x3FB8] =	sst s0;
	s0 =	simm.s32 @!p1 $0x0  }
0x14: {  	s2 =	sld [smem:$0x3F9C];
	s0 =	simm.s32 @p1 $0x1  }
0x15: {  	[smem:$0x3FB9] =	sst s0;
	s0 =	simm.s32 @!p2 $0x0  }
0x16: {  	s3 =	sld [smem:$0x3FDB];
	s0 =	simm.s32 @p2 $0x1  }
0x17: {  	s4 =	simm.s32 $0x1BF5;
	[smem:$0x3FBB] =	sst s0  }
0x18: {  	s0 =	sld [smem:$0x3F9E];
	_ =	swait.ge [sflag:s4], $0x0  }
0x19: {  	s7 =	sld [smem:$0x3F9F]  }
0x1a: {  	s8 =	sadd.s32 $0xFFFFE003, lr  }
0x1b: {  	s9 =	sadd.s32 $0xFFFFFEF7, lr;
	s5 =	simm.s32 $0xFFFFFFFF;
	p2 =	slt.u32 s8, $0xFFFFF086  }
0x1c: {  	p1 =	slt.u32 s9, $0xF7A;
	s5 =	simm.s32 @!p2 $0x0  }
0x1d: {  	s5 =	simm.s32 @p1 $0x1;
	p0 =	seq.s32 s7, s2  }
0x1e: {  	s7 =	smul.u32 @!p0 $0xF7A, s2;
	p2 =	seq.s32 @!p0 s5, $0x0  }
0x1f: {  	s9 =	smul.u32 $0xF7A, s1;
	s8 =	simm.s32 @!p0 $0x1BF5;
	p2 =	por !p2, p0  }
0x20: {  	[sflag:s8] =	ssyncset.s32 @!p0 $0xFFFFF086;
	s6 =	sadd.s32 @!p0 s3, s7;
	s7 =	simm.s32 @!p0 $0x108  }
0x21: {  	s3 =	sadd.s32 s3, s9;
	s6 =	sadd.s32 @!p0 $0x88, s6;
	s7 =	simm.s32 @p2 $0x1082  }
0x22: {  	[simem:s7], [sflag:s8] =	dma.local @!p0 [hbm:s6], $0xF7A  }
0x23: {  	s9 =	sor.u32 $0xD0000000, s2;
	s6 =	simm.s32 $0x108;
	_ =	swait.ge @!p0 [sflag:s8], $0x0  }
0x24: {  	s3 =	sadd.s32 $0x88, s3;
	s6 =	simm.s32 @!p1 $0x1082;
	[sflag:s4] =	ssyncset.s32 $0xFFFFF086  }
0x25: {  	[simem:s6], [sflag:s4] =	dma.local [hbm:s3], $0xF7A  }
0x26: {  	[smem:$0x3F9F] =	sst s1;
	(tag) =	ssettag s2;
	_ =	strace s9  }
0x27: {  	s1 =	sld [smem:$0x3FAF]  }
0x28: {  	s2 =	sld [smem:$0x3FB0]  }
0x29: {  	s4 =	sld [smem:$0x3FB2]  }
0x2a: {  	p0 =	seq.s32 s5, $0x0;
	s5 =	sld [smem:$0x3FB3]  }
0x2b: {  	s6 =	sld [smem:$0x3FB4]  }
0x2c: {  	s7 =	sld [smem:$0x3FB5]  }
0x2d: {  	s3 =	simm.s32 $0x108;
	s8 =	sld [smem:$0x3FB6]  }
0x2e: {  	s3 =	simm.s32 @!p0 $0x1082;
	s9 =	sld [smem:$0x3FB7]  }
0x2f: {  	lr =	sadd.s32 s0, s3;
	s0 =	sld [smem:$0x3FAE]  }
0x30: {  	s3 =	sld [smem:$0x3FB1]  }
0x31: {  	[smem:$0x3FBA] =	sst s10  }
0x32: {  	s10 =	sld [smem:$0x3FB8];
	_ =	sdelay $0x3  }
0x33: {  	p0 =	seq.s32 s10, $0x1;
	s10 =	sld [smem:$0x3FBA];
	_ =	sdelay $0x3  }
0x34: {  	[smem:$0x3FBA] =	sst s10  }
0x35: {  	s10 =	sld [smem:$0x3FB9];
	_ =	sdelay $0x3  }
0x36: {  	p1 =	seq.s32 s10, $0x1;
	s10 =	sld [smem:$0x3FBA];
	_ =	sdelay $0x3  }
0x37: {  	[smem:$0x3FBA] =	sst s10  }
0x38: {  	s10 =	sld [smem:$0x3FBB]  }
0x39: {  	_ = 	snop;
	(pc) =	sbr.ind lr, $3  }
0x3a: {  	_ = 	snop  }
0x3b: {  	_ = 	snop  }
0x3c: {  	p2 =	seq.s32 s10, $0x1;
	s10 =	sld [smem:$0x3FBA]  }
0x3d: {  	_ =	shalt  }
0x3e: {  	_ =	shalt  }
0x3f: {  	_ =	shalt  }
0x40: {  	_ =	shalt  }
0x41: {  	_ =	shalt  }
0x42: {  	_ =	shalt  }
0x43: {  	_ =	shalt  }
0x44: {  	_ =	shalt  }
0x45: {  	_ =	shalt  }
0x46: {  	_ =	shalt  }
0x47: {  	_ =	shalt  }
0x48: {  	_ =	shalt  }
0x49: {  	_ =	shalt  }
0x4a: {  	_ =	shalt  }
0x4b: {  	_ =	shalt  }
0x4c: {  	_ =	shalt  }
0x4d: {  	_ =	shalt  }
0x4e: {  	_ =	shalt  }
0x4f: {  	_ =	shalt  }
0x50: {  	_ =	shalt  }
0x51: {  	_ =	shalt  }
0x52: {  	_ =	shalt  }
0x53: {  	_ =	shalt  }
0x54: {  	_ =	shalt  }
0x55: {  	_ =	shalt  }
0x56: {  	_ =	shalt  }
0x57: {  	_ =	shalt  }
0x58: {  	_ =	shalt  }
0x59: {  	_ =	shalt  }
0x5a: {  	_ =	shalt  }
0x5b: {  	_ =	shalt  }
0x5c: {  	_ =	shalt  }
0x5d: {  	_ =	shalt  }
0x5e: {  	_ =	shalt  }
0x5f: {  	_ =	shalt  }
0x60: {  	_ =	shalt  }
0x61: {  	_ =	shalt  }
0x62: {  	_ =	shalt  }
0x63: {  	_ =	shalt  }
0x64: {  	_ =	shalt  }
0x65: {  	_ =	shalt  }
0x66: {  	_ =	shalt  }
0x67: {  	_ =	shalt  }
0x68: {  	_ =	shalt  }
0x69: {  	_ =	shalt  }
0x6a: {  	_ =	shalt  }
0x6b: {  	_ =	shalt  }
0x6c: {  	_ =	shalt  }
0x6d: {  	_ =	shalt  }
0x6e: {  	_ =	shalt  }
0x6f: {  	_ =	shalt  }
0x70: {  	_ =	shalt  }
0x71: {  	_ =	shalt  }
0x72: {  	_ =	shalt  }
0x73: {  	_ =	shalt  }
0x74: {  	_ =	shalt  }
0x75: {  	_ =	shalt  }
0x76: {  	_ =	shalt  }
0x77: {  	_ =	shalt  }
0x78: {  	_ =	shalt  }
0x79: {  	_ =	shalt  }
0x7a: {  	_ =	shalt  }
0x7b: {  	_ =	shalt  }
0x7c: {  	_ =	shalt  }
0x7d: {  	_ =	shalt  }
0x7e: {  	_ =	shalt  }
0x7f: {  	_ =	shalt  }
0x80: {  	_ =	shalt  }
0x81: {  	_ =	shalt  }
0x82: {  	_ =	shalt  }
0x83: {  	_ =	shalt  }
0x84: {  	_ =	shalt  }
0x85: {  	_ =	shalt  }
0x86: {  	_ =	shalt  }
0x87: {  	_ =	shalt  }
.Lfunc_end0:
.L_simem_size_0:
called_computation_lowered:
.L_overlay_start_0:
0x88: {  	s2 =	sld [smem:$0x3FD9]  }
0x89: {  	s3 =	sld [smem:$0x3FFE];
	_ =	sdelay $0x1  }
0x8a: {  	s1 =	srdreg.scid  }
0x8b: {  	s0 =	sand.u32 $0x1, s1  }
0x8c: {  	s17 =	sshll.u32 s0, $0xA;
	s2 =	sadd.s32 s3, s2  }
0x8d: {  	s2 =	sadd.s32 s2, s17  }
0x8e: {  	[smem:$0x3FC6] =	sst s2  }
0x8f: {  	_ = 	snop  }
0x90: {  	s2 =	sld [smem:$0x3FD0];
	(tm) =	ssettm $0x1  }
0x91: {  	s18 =	sld [smem:$0x3FFB];
	_ =	sdelay $0x3  }
0x92: {  	_ =	strace s18  }
0x93: {  	s3 =	sld [smem:$0x3FFC];
	_ =	sdelay $0x3  }
0x94: {  	_ =	strace s3  }
0x95: {  	s3 =	sld [smem:$0x3FFD];
	_ =	sdelay $0x3  }
0x96: {  	_ =	strace s3  }
0x97: {  	_ =	strace $0x8FFFFFFF  }
0x98: {  	s19 =	sld [smem:$0x3FDB];
	_ =	sdelay $0x1  }
0x99: {  	s4 =	simm.s32 $_scs_section_size  }
0x9a: {  	s5 =	simm.s32 $_size__tile_overlayer_lowered;
	s6 =	simm.s32 $_tile_overlayer_lowered  }
0x9b: {  	s22 =	simm.s32 $0x1BFF;
	s21 =	sshll.u32 s6, $0x1;
	s3 =	sadd.s32 s4, s19  }
0x9c: {  	s7 =	simm.s32 $0x0;
	s20 =	sshll.u32 s5, $0x1;
	s5 =	sadd.s32 s21, s3  }
0x9d: {  	[timem:s7], [sflag:s22] =	dma.local [hbm:s5], s20  }
0x9e: {  	_ =	swait.ge [sflag:s22], s20  }
0x9f: {  	s4 =	ssub.s32 $0x0, s20;
	[sflag:s22] =	ssyncset.done $0x0  }
0xa0: {  	[sflag:s22] =	ssyncadd.s32 s4;
	_ =	sdelay $0x1  }
0xa1: {  	s23 =	simm.s32 $0x1B8B  }
0xa2: {  	_ =	swait.ge [sflag:s23], $0x1  }
0xa3: {  	[sflag:s23] =	ssyncset.done $0x0  }
0xa4: {  	s25 =	simm.s32 $0x1B8E;
	s24 =	sld [smem:$0x3FFE];
	[sflag:s23] =	ssyncadd.s32 $0xFFFFFFFF  }
0xa5: {  	s26 =	simm.s32 $execute0_lowered;
	[smem:$0x3FD2] =	sst s25  }
0xa6: {  	s5 =	sshll.u32 s26, $0x1;
	_ =	strace $0x80000046;
	[dreg:$0x1] =	wrdreg $0xFFFFFFFF  }
0xa7: {  	s28 =	simm.s32 $_size_execute0_lowered;
	s3 =	sadd.s32 s3, s5;
	[dreg:$0x0] =	wrdreg $0x0  }
0xa8: {  	s5 =	sshll.u32 s28, $0x1;
	[dreg:$0x2] =	wrdreg s3  }
0xa9: {  	[dreg:$0x3] =	wrdreg s5  }
0xaa: {  	[dreg:$0x4] =	wrdreg $0xC0  }
0xab: {  	_ =	task [dreg:s7], $0x5FFFF  }
0xac: {  	[dreg:$0x1] =	wrdreg $0xFFFFFFFF  }
0xad: {  	[dreg:$0x0] =	wrdreg $0x60  }
0xae: {  	[dreg:$0x2] =	wrdreg s24  }
0xaf: {  	[dreg:$0x3] =	wrdreg s2  }
0xb0: {  	[dreg:$0x4] =	wrdreg $0x9  }
0xb1: {  	_ =	task.clear_ibuf [dreg:s7], $0x5FFFF;
	_ =	strace $0x90000046  }
0xb2: {  	s29 =	simm.s32 $0x9;
	_ =	strace $0x80000048  }
0xb3: {  	_ =	swait.ge [sflag:s29], $0x1  }
0xb4: {  	[sflag:s29] =	ssyncadd.s32 $0xFFFFFFFF  }
0xb5: {  	_ =	strace $0x90000048  }
0xb6: {  	_ =	sfence  }
0xb7: {  	s30 =	sld [smem:$0x0];
	_ =	sdelay $0x2  }
0xb8: {  	s31 =	sshll.u32 s1, $0xD;
	s1 =	sshrl.u32 s1, $0x2  }
0xb9: {  	s3 =	sand.u32 $0x4000, s31;
	s1 =	sadd.s32 s1, s30  }
0xba: {  	s0 =	sor.u32 s3, s0;
	s1 =	sshll.u32 s1, $0x11  }
0xbb: {  	s0 =	sor.u32 s1, s0  }
0xbc: {  	s0 =	sadd.s32 $0x8F2B, s0  }
0xbd: {  	[sflag:s0] =	ssyncadd.remote.s32 $0x1  }
0xbe: {  	_ =	sfence.sel $0xFFFF  }
0xbf: {  	[dreg:$0x0] =	wrdreg $0xFFFFFFFF;
	(pc) =	sbr.abs _section_cstart, $3  }
0xc0: {  	[dreg:$0x1] =	wrdreg $0xFFFFFFFF  }
0xc1: {  	_ =	task.clear_ibuf [dreg:s7], $0x2FFFF;
	_ =	strace $0x9FFFFFFF  }
0xc2: {  	(tm) =	ssettm $0x7FFFFFFF  }
0xc3: {  	_ =	shalt  }
tec
execute0_lowered:
.L_overlay_start_1:
0x0: {  	(tag) =	ssettag $0x1  }
0x1: {  	v0 =	vlaneseq.u32  }
0x2: {  	v1 =	vimm.s32 $0x1380;
	vm13 =	vcmask $0x300;
	v2 =	vimm.s32 $0x3380  }
0x3: {  	vm14 =	vcmask $0x704;
	vm12 =	vcmask $0xB08;
	vm11 =	vcmask $0xF0C  }
0x4: {  	vm10 =	vcmask $0x1310;
	vm9 =	vcmask $0x1714;
	vm8 =	vcmask $0x1B18  }
0x5: {  	vm7 =	vcmask $0x1F1C;
	vm6 =	vcmask $0x2320;
	vm5 =	vcmask $0x2724  }
0x6: {  	vm4 =	vcmask $0x2B28;
	vm3 =	vcmask $0x2F2C;
	vm2 =	vcmask $0x3330  }
0x7: {  	vm1 =	vcmask $0x3734;
	vm0 =	vcmask $0x3B38;
	v5 =	vimm.s32 $0x3780  }
0x8: {  	v6 =	vimm.s32 $0x1B80;
	v7 =	vimm.s32 $0x3B80;
	v8 =	vimm.s32 $0x1F80  }
0x9: {  	v9 =	vimm.s32 $0x3F80;
	v1 =	vsel vm13, $0x0, v1;
	v2 =	vsel vm13, $0x2000, v2  }
0xa: {  	v5 =	vsel vm13, $0x2400, v5;
	v6 =	vsel vm13, $0x800, v6;
	v7 =	vsel vm13, $0x2800, v7  }
0xb: {  	v8 =	vsel vm13, $0xC00, v8;
	v9 =	vsel vm13, $0x2C00, v9;
	v1 =	vsel vm14, $0x80, v1  }
0xc: {  	v2 =	vsel vm14, $0x2080, v2;
	v5 =	vsel vm14, $0x2480, v5;
	v6 =	vsel vm14, $0x880, v6  }
0xd: {  	v7 =	vsel vm14, $0x2880, v7;
	v8 =	vsel vm14, $0xC80, v8;
	v9 =	vsel vm14, $0x2C80, v9  }
0xe: {  	v1 =	vsel vm12, $0x100, v1;
	v2 =	vsel vm12, $0x2100, v2;
	v5 =	vsel vm12, $0x2500, v5  }
0xf: {  	v6 =	vsel vm12, $0x900, v6;
	v7 =	vsel vm12, $0x2900, v7;
	v8 =	vsel vm12, $0xD00, v8  }
0x10: {  	v9 =	vsel vm12, $0x2D00, v9;
	v1 =	vsel vm11, $0x180, v1;
	v2 =	vsel vm11, $0x2180, v2  }
0x11: {  	v5 =	vsel vm11, $0x2580, v5;
	v6 =	vsel vm11, $0x980, v6;
	v7 =	vsel vm11, $0x2980, v7  }
0x12: {  	v8 =	vsel vm11, $0xD80, v8;
	v9 =	vsel vm11, $0x2D80, v9;
	v1 =	vsel vm10, $0x200, v1  }
0x13: {  	v2 =	vsel vm10, $0x2200, v2;
	v5 =	vsel vm10, $0x2600, v5;
	v6 =	vsel vm10, $0xA00, v6  }
0x14: {  	v7 =	vsel vm10, $0x2A00, v7;
	v8 =	vsel vm10, $0xE00, v8;
	v9 =	vsel vm10, $0x2E00, v9  }
0x15: {  	v1 =	vsel vm9, $0x280, v1;
	v2 =	vsel vm9, $0x2280, v2;
	v5 =	vsel vm9, $0x2680, v5  }
0x16: {  	v6 =	vsel vm9, $0xA80, v6;
	v7 =	vsel vm9, $0x2A80, v7;
	v8 =	vsel vm9, $0xE80, v8  }
0x17: {  	v9 =	vsel vm9, $0x2E80, v9;
	v1 =	vsel vm8, $0x300, v1;
	v2 =	vsel vm8, $0x2300, v2  }
0x18: {  	v5 =	vsel vm8, $0x2700, v5;
	v6 =	vsel vm8, $0xB00, v6;
	v7 =	vsel vm8, $0x2B00, v7  }
0x19: {  	v8 =	vsel vm8, $0xF00, v8;
	v9 =	vsel vm8, $0x2F00, v9;
	v1 =	vsel vm7, $0x380, v1  }
0x1a: {  	v2 =	vsel vm7, $0x2380, v2;
	v5 =	vsel vm7, $0x2780, v5;
	v6 =	vsel vm7, $0xB80, v6  }
0x1b: {  	v7 =	vsel vm7, $0x2B80, v7;
	v8 =	vsel vm7, $0xF80, v8;
	v9 =	vsel vm7, $0x2F80, v9  }
0x1c: {  	v1 =	vsel vm6, $0x1000, v1;
	v2 =	vsel vm6, $0x3000, v2;
	v5 =	vsel vm6, $0x3400, v5  }
0x1d: {  	v6 =	vsel vm6, $0x1800, v6;
	v1 =	vsel vm5, $0x1080, v1;
	v2 =	vsel vm5, $0x3080, v2  }
0x1e: {  	v7 =	vsel vm6, $0x3800, v7;
	v1 =	vsel vm4, $0x1100, v1;
	v2 =	vsel vm4, $0x3100, v2  }
0x1f: {  	v8 =	vsel vm6, $0x1C00, v8;
	v1 =	vsel vm3, $0x1180, v1;
	v2 =	vsel vm3, $0x3180, v2  }
0x20: {  	v9 =	vsel vm6, $0x3C00, v9;
	v1 =	vsel vm2, $0x1200, v1;
	v2 =	vsel vm2, $0x3200, v2  }
0x21: {  	v5 =	vsel vm5, $0x3480, v5;
	v3 =	vsel vm1, $0x1280, v1;
	v4 =	vsel vm1, $0x3280, v2  }
0x22: {  	v2 =	vsel vm0, $0x1300, v3;
	v3 =	vsel vm0, $0x3300, v4;
	v4 =	vimm.s32 $0x1780  }
0x23: {  	v6 =	vsel vm5, $0x1880, v6;
	v7 =	vsel vm5, $0x3880, v7;
	v4 =	vsel vm13, $0x400, v4  }
0x24: {  	v8 =	vsel vm5, $0x1C80, v8;
	v9 =	vsel vm5, $0x3C80, v9;
	v4 =	vsel vm14, $0x480, v4  }
0x25: {  	v5 =	vsel vm4, $0x3500, v5;
	v6 =	vsel vm4, $0x1900, v6;
	v4 =	vsel vm12, $0x500, v4  }
0x26: {  	s4 =	rddreg [dreg:$0x0];
	s1 =	srdreg.scid;
	v7 =	vsel vm4, $0x3900, v7;
	v8 =	vsel vm4, $0x1D00, v8;
	v4 =	vsel vm11, $0x580, v4  }
0x27: {  	s0 =	stileid.u32;
	s2 =	rddreg [dreg:$0x1];
	v9 =	vsel vm4, $0x3D00, v9;
	v5 =	vsel vm3, $0x3580, v5;
	v4 =	vsel vm10, $0x600, v4  }
0x28: {  	s3 =	simm.s32 $0x0;
	s9 =	simm.s32 $0x200;
	s10 =	simm.s32 $0x6400;
	v6 =	vsel vm3, $0x1980, v6;
	v7 =	vsel vm3, $0x3980, v7;
	v4 =	vsel vm9, $0x680, v4  }
0x29: {  	s11 =	simm.s32 $0xC800;
	s12 =	simm.s32 $0x1;
	s13 =	simm.s32 $0x10800;
	v8 =	vsel vm3, $0x1D80, v8;
	v9 =	vsel vm3, $0x3D80, v9;
	v4 =	vsel vm8, $0x700, v4  }
0x2a: {  	s14 =	simm.s32 $0x14800;
	s15 =	simm.s32 $0x1000;
	s16 =	simm.s32 $0x20000;
	v5 =	vsel vm2, $0x3600, v5;
	v6 =	vsel vm2, $0x1A00, v6;
	v4 =	vsel vm7, $0x780, v4  }
0x2b: {  	s17 =	simm.s32 $0x2;
	s18 =	simm.s32 $0x18800;
	s19 =	simm.s32 $0x3;
	v7 =	vsel vm2, $0x3A00, v7;
	v8 =	vsel vm2, $0x1E00, v8;
	v4 =	vsel vm6, $0x1400, v4  }
0x2c: {  	s20 =	simm.s32 $0x4;
	s5 =	sand.u32 $0x1, s1;
	s6 =	sshll.u32 s0, $0x1;
	v9 =	vsel vm2, $0x3E00, v9;
	v1 =	vimm.s32 $0x0;
	v4 =	vsel vm5, $0x1480, v4  }
0x2d: {  	s21 =	simm.s32 $0x0;
	s1 =	rddreg [dreg:$0x2];
	s6 =	sor.u32 s5, s6;
	v5 =	vsel vm1, $0x3680, v5;
	v6 =	vsel vm1, $0x1A80, v6;
	v4 =	vsel vm4, $0x1500, v4  }
0x2e: {  	[smem:$0x7FF] =	sst s3;
	s5 =	ssub.s32 $0x2, s5;
	s7 =	smul.u32 $0xC80, s6;
	v7 =	vsel vm1, $0x3A80, v7;
	v8 =	vsel vm1, $0x1E80, v8;
	v4 =	vsel vm3, $0x1580, v4  }
0x2f: {  	_ =	strace $0x80000047;
	s8 =	sshrl.u32 s5, $0x1;
	s6 =	sshll.u32 s6, $0x9;
	v9 =	vsel vm1, $0x3E80, v9;
	v5 =	vsel vm0, $0x3700, v5;
	v4 =	vsel vm2, $0x1600, v4  }
0x30: {  	s8 =	ssub.s32 s5, s8;
	s7 =	sadd.s32 s7, s4;
	s4 =	sadd.s32 $0xF42A00, s4;
	v6 =	vsel vm0, $0x1B00, v6;
	v7 =	vsel vm0, $0x3B00, v7;
	v4 =	vsel vm1, $0x1680, v4  }
0x31: {  	s5 =	sadd.s32 $0x600, s7;
	s7 =	smax.u32 s8, $0x1;
	s8 =	simm.s32 $0x5;
	v8 =	vsel vm0, $0x1F00, v8;
	v9 =	vsel vm0, $0x3F00, v9;
	v4 =	vsel vm0, $0x1700, v4  }
.LBB2_1:
0x32: {  	v10 =	vor.u32 s3, v0  }
0x33: {  	v11 =	vmov s3;
	v10 =	vand.u32 $0x1FF, v10  }
0x34: {  	vm1 =	veq.s32 v11, v0;
	vm0 =	vne.s32 v10, $0x0;
	v10 =	vmul.u32 $0x32, v10  }
0x35: {  	v11 =	vshrl.u32 v11, $0x9;
	vm0 =	vmand vm1, vm0  }
0x36: {  	v12 =	vsel vm0, $0xFFFFFFFF, v1;
	v10 =	vadd.s32 v11, v10  }
0x37: {  	s22 =	simm.s32 $0x10;
	v10 =	vadd.s32 v12, v10  }
0x38: {  	[tilespmem:s3], [sflag:$0x5] =	stream.linear.gather [hbm4b:s5+s3], $0x6400, $0x38;
	v11 =	vor.u32 s22, v0;
	[tilespmem:$0x1C800] =	vst v63  }
0x39: {  	_ =	swait.ge [sflag:s8], $0x6400;
	v12 =	vmov s22;
	v11 =	vand.u32 $0x1FF, v11  }
0x3a: {  	[sflag:s8] =	ssyncset.done $0x0;
	vm12 =	vne.s32 v11, $0x0;
	v11 =	vmul.u32 $0x32, v11;
	vm13 =	veq.s32 v12, v0  }
0x3b: {  	[sflag:s8] =	ssyncadd.s32 $0xFFFF9C00;
	v12 =	vshrl.u32 v12, $0x9;
	vm0 =	vmand vm13, vm12  }
0x3c: {  	v13 =	vsel vm0, $0xFFFFFFFF, v1;
	v11 =	vadd.s32 v12, v11;
	v10 =	vld.idx.msk [tilespmem:v10+s3+$0x0], $0xffff  }
0x3d: {  	s31 =	simm.s32 $0x20;
	v11 =	vadd.s32 v13, v11  }
0x3e: {  	v12 =	vor.u32 s31, v0  }
0x3f: {  	v13 =	vmov s31;
	v12 =	vand.u32 $0x1FF, v12  }
0x40: {  	vm14 =	vne.s32 v12, $0x0;
	v12 =	vmul.u32 $0x32, v12;
	vm15 =	veq.s32 v13, v0  }
0x41: {  	v13 =	vshrl.u32 v13, $0x9;
	vm0 =	vmand vm15, vm14;
	[tilespmem:s10+$0x0] =	vst v10  }
0x42: {  	v12 =	vadd.s32 v13, v12;
	v10 =	vsel vm0, $0xFFFFFFFF, v1;
	v11 =	vld.idx.msk [tilespmem:v11+s3+$0x0], $0xffff  }
0x43: {  	v10 =	vadd.s32 v10, v12  }
0x44: {  	s22 =	simm.s32 $0x30  }
0x45: {  	s24 =	simm.s32 $0x40;
	s23 =	simm.s32 $0x6400;
	v12 =	vor.u32 s22, v0  }
.LBB2_2:
0x46: {  	p0 =	sne.s32 s24, $0x63F0;
	v13 =	vmov s22;
	v12 =	vand.u32 $0x1FF, v12;
	s23 =	sadd.s32 $0x10, s23;
	s22 =	smov.u32 s24  }
0x47: {  	vm0 =	vne.s32 v12, $0x0;
	v12 =	vmul.u32 $0x32, v12;
	vm1 =	veq.s32 v13, v0;
	[tilespmem:s23+$0x0] =	vst v11  }
.Ltmp0:
0x48: {  	v13 =	vshrl.u32 v13, $0x9;
	vm0 =	vmand vm1, vm0;
	v11 =	vld.idx.msk [tilespmem:v10+s3+$0x0], $0xffff;
	(pc) =	sbr.rel @p0 .LBB2_2-.Ltmp0, $3  }
0x49: {  	v10 =	vsel vm0, $0xFFFFFFFF, v1;
	v12 =	vadd.s32 v13, v12  }
0x4a: {  	v10 =	vadd.s32 v10, v12;
	_ =	sdelay $0x1  }
0x4b: {  	s24 =	sadd.s32 $0x10, s24;
	v12 =	vor.u32 s22, v0  }
0x4c: {  	_ = 	snop  }
0x4d: {  	v13 =	vmov s22;
	v12 =	vand.u32 $0x1FF, v12  }
0x4e: {  	s31 =	sadd.s32 $0x10, s23;
	vm0 =	vne.s32 v12, $0x0;
	v12 =	vmul.u32 $0x32, v12;
	vm1 =	veq.s32 v13, v0  }
0x4f: {  	[tilespmem:s31+$0x0] =	vst v11;
	v11 =	vshrl.u32 v13, $0x9;
	vm0 =	vmand vm1, vm0  }
0x50: {  	v10 =	vld.idx.msk [tilespmem:v10+s3+$0x0], $0xffff;
	v63 =	vsel vm0, $0xFFFFFFFF, v1;
	v11 =	vadd.s32 v11, v12  }
0x51: {  	v11 =	vadd.s32 v63, v11;
	_ =	sdelay $0x2  }
0x52: {  	s22 =	sadd.s32 $0x10, s31  }
0x53: {  	[tilespmem:s22+$0x0] =	vst v10  }
0x54: {  	v10 =	vld.idx.msk [tilespmem:v11+s3+$0x0], $0xffff;
	_ =	sdelay $0x3  }
0x55: {  	s22 =	sadd.s32 $0x10, s22  }
0x56: {  	s23 =	simm.s32 $0x0;
	[tilespmem:s22+$0x0] =	vst v10;
	s22 =	simm.s32 $0x0  }
0x57: {  	[tilespmem:s11], [sflag:$0x1] =	stream.indirect.gather [hbm4b:s4+s9], $0x20, s10, s9, $0xb8;
	[tilespmem:$0x1C800] =	vst v63  }
.LBB2_4:
0x58: {  	s24 =	sshllo.u32 s23, $0x1  }
0x59: {  	_ =	swait.ge [sflag:s12], $0x4000;
	s25 =	sshll.u32 s24, $0x9  }
0x5a: {  	[sflag:s12] =	ssyncset.done $0x0;
	s25 =	sand.u32 $0x3FFFFE00, s25  }
0x5b: {  	p0 =	seq.s32 s23, $0x0;
	[sflag:s12] =	ssyncadd.s32 $0xFFFFC000;
	s25 =	sadd.s32 $0x6400, s25  }
0x5c: {  	[tilespmem:s13], [sflag:$0x2] =	stream.indirect.gather [hbm4b:s4+s9], $0x20, s25, s9, $0xb8;
	[tilespmem:$0x1C800] =	vst v63  }
0x5d: {  	v10 =	vmov s22;
	s25 =	simm.s32 @!p0 $0x3  }
0x5e: {  	v10 =	vand.u32 $0x7C, v10;
	_ =	swait.ge @!p0 [sflag:s25], $0x4000  }
0x5f: {  	v10 =	vbroadcast v10, $0x0;
	[sflag:s25] =	ssyncset.done @!p0 $0x0  }
0x60: {  	[sflag:s25] =	ssyncadd.s32 @!p0 $0xFFFFC000;
	s25 =	simm.s32 $0xE800  }
0x61: {  	v12 =	vor.u32 v2, v10;
	v11 =	vld [tilespmem:s25+$0xFFFFE000]  }
0x62: {  	v14 =	vor.u32 v3, v10;
	v13 =	vld [tilespmem:s25+$0xFFFFE010];
	_ =	sdelay $0x3  }
0x63: {  	[tilespmem:v12+s14+$0x0] =	vst.idx.msk $0xffff, v11  }
0x64: {  	[tilespmem:v14+s14+$0x0] =	vst.idx.msk $0xffff, v13  }
0x65: {  	v12 =	vor.u32 v4, v10;
	v11 =	vld [tilespmem:s25+$0xFFFFF000]  }
0x66: {  	v14 =	vor.u32 v5, v10;
	v13 =	vld [tilespmem:s25+$0xFFFFF010];
	_ =	sdelay $0x3  }
0x67: {  	[tilespmem:v12+s14+$0x0] =	vst.idx.msk $0xffff, v11  }
0x68: {  	[tilespmem:v14+s14+$0x0] =	vst.idx.msk $0xffff, v13  }
0x69: {  	v12 =	vor.u32 v6, v10;
	v11 =	vld [tilespmem:s25+$0x0]  }
0x6a: {  	v14 =	vor.u32 v7, v10;
	v13 =	vld [tilespmem:s25+$0x10];
	_ =	sdelay $0x3  }
0x6b: {  	[tilespmem:v12+s14+$0x0] =	vst.idx.msk $0xffff, v11  }
0x6c: {  	[tilespmem:v14+s14+$0x0] =	vst.idx.msk $0xffff, v13  }
0x6d: {  	v12 =	vor.u32 v8, v10;
	v11 =	vld [tilespmem:s25+$0x1000]  }
0x6e: {  	v10 =	vor.u32 v9, v10;
	v13 =	vld [tilespmem:s25+$0x1010]  }
0x6f: {  	s26 =	simm.s32 $0x1  }
0x70: {  	v14 =	vmov s26  }
0x71: {  	v14 =	vand.u32 $0x7D, v14  }
0x72: {  	[tilespmem:v12+s14+$0x0] =	vst.idx.msk $0xffff, v11;
	v11 =	vbroadcast v14, $0x0  }
0x73: {  	[tilespmem:v10+s14+$0x0] =	vst.idx.msk $0xffff, v13  }
0x74: {  	v10 =	vld [tilespmem:s25+$0xFFFFE020];
	v12 =	vor.u32 v2, v11  }
0x75: {  	v13 =	vld [tilespmem:s25+$0xFFFFE030];
	v14 =	vor.u32 v3, v11;
	_ =	sdelay $0x3  }
0x76: {  	[tilespmem:v12+s14+$0x0] =	vst.idx.msk $0xffff, v10  }
0x77: {  	[tilespmem:v14+s14+$0x0] =	vst.idx.msk $0xffff, v13  }
0x78: {  	v12 =	vor.u32 v4, v11;
	v10 =	vld [tilespmem:s25+$0xFFFFF020]  }
0x79: {  	v14 =	vor.u32 v5, v11;
	v13 =	vld [tilespmem:s25+$0xFFFFF030];
	_ =	sdelay $0x3  }
0x7a: {  	[tilespmem:v12+s14+$0x0] =	vst.idx.msk $0xffff, v10  }
0x7b: {  	[tilespmem:v14+s14+$0x0] =	vst.idx.msk $0xffff, v13  }
0x7c: {  	v12 =	vor.u32 v6, v11;
	v10 =	vld [tilespmem:s25+$0x20]  }
0x7d: {  	v14 =	vor.u32 v7, v11;
	v13 =	vld [tilespmem:s25+$0x30];
	_ =	sdelay $0x3  }
0x7e: {  	[tilespmem:v12+s14+$0x0] =	vst.idx.msk $0xffff, v10  }
0x7f: {  	[tilespmem:v14+s14+$0x0] =	vst.idx.msk $0xffff, v13  }
0x80: {  	v12 =	vor.u32 v8, v11;
	v10 =	vld [tilespmem:s25+$0x1020]  }
0x81: {  	v11 =	vor.u32 v9, v11;
	v13 =	vld [tilespmem:s25+$0x1030]  }
0x82: {  	s30 =	simm.s32 $0x2  }
0x83: {  	v14 =	vmov s30  }
0x84: {  	v14 =	vand.u32 $0x7E, v14  }
0x85: {  	[tilespmem:v12+s14+$0x0] =	vst.idx.msk $0xffff, v10;
	v10 =	vbroadcast v14, $0x0  }
0x86: {  	[tilespmem:v11+s14+$0x0] =	vst.idx.msk $0xffff, v13  }
0x87: {  	v11 =	vld [tilespmem:s25+$0xFFFFE040];
	v12 =	vor.u32 v2, v10  }
0x88: {  	v13 =	vld [tilespmem:s25+$0xFFFFE050];
	v14 =	vor.u32 v3, v10;
	_ =	sdelay $0x3  }
0x89: {  	[tilespmem:v12+s14+$0x0] =	vst.idx.msk $0xffff, v11  }
0x8a: {  	[tilespmem:v14+s14+$0x0] =	vst.idx.msk $0xffff, v13  }
0x8b: {  	v12 =	vor.u32 v4, v10;
	v11 =	vld [tilespmem:s25+$0xFFFFF040]  }
0x8c: {  	v14 =	vor.u32 v5, v10;
	v13 =	vld [tilespmem:s25+$0xFFFFF050];
	_ =	sdelay $0x3  }
0x8d: {  	[tilespmem:v12+s14+$0x0] =	vst.idx.msk $0xffff, v11  }
0x8e: {  	[tilespmem:v14+s14+$0x0] =	vst.idx.msk $0xffff, v13  }
0x8f: {  	v12 =	vor.u32 v6, v10;
	v11 =	vld [tilespmem:s25+$0x40]  }
0x90: {  	v14 =	vor.u32 v7, v10;
	v13 =	vld [tilespmem:s25+$0x50];
	_ =	sdelay $0x3  }
0x91: {  	[tilespmem:v12+s14+$0x0] =	vst.idx.msk $0xffff, v11  }
0x92: {  	[tilespmem:v14+s14+$0x0] =	vst.idx.msk $0xffff, v13  }
0x93: {  	v12 =	vor.u32 v8, v10;
	v11 =	vld [tilespmem:s25+$0x1040]  }
0x94: {  	v10 =	vor.u32 v9, v10;
	v13 =	vld [tilespmem:s25+$0x1050]  }
0x95: {  	s31 =	simm.s32 $0x3  }
0x96: {  	v14 =	vmov s31  }
0x97: {  	v14 =	vand.u32 $0x7F, v14  }
0x98: {  	[tilespmem:v12+s14+$0x0] =	vst.idx.msk $0xffff, v11;
	v12 =	vbroadcast v14, $0x0  }
0x99: {  	[tilespmem:v10+s14+$0x0] =	vst.idx.msk $0xffff, v13  }
0x9a: {  	v10 =	vld [tilespmem:s25+$0xFFFFE060];
	v11 =	vor.u32 v2, v12  }
0x9b: {  	v13 =	vld [tilespmem:s25+$0xFFFFE070];
	v14 =	vor.u32 v3, v12;
	_ =	sdelay $0x3  }
0x9c: {  	[tilespmem:v11+s14+$0x0] =	vst.idx.msk $0xffff, v10  }
0x9d: {  	[tilespmem:v14+s14+$0x0] =	vst.idx.msk $0xffff, v13  }
0x9e: {  	v11 =	vor.u32 v4, v12;
	v10 =	vld [tilespmem:s25+$0xFFFFF060]  }
0x9f: {  	v14 =	vor.u32 v5, v12;
	v13 =	vld [tilespmem:s25+$0xFFFFF070];
	_ =	sdelay $0x3  }
0xa0: {  	[tilespmem:v11+s14+$0x0] =	vst.idx.msk $0xffff, v10  }
0xa1: {  	[tilespmem:v14+s14+$0x0] =	vst.idx.msk $0xffff, v13  }
0xa2: {  	v11 =	vor.u32 v6, v12;
	v10 =	vld [tilespmem:s25+$0x60]  }
0xa3: {  	v14 =	vor.u32 v7, v12;
	v13 =	vld [tilespmem:s25+$0x70];
	_ =	sdelay $0x3  }
0xa4: {  	[tilespmem:v11+s14+$0x0] =	vst.idx.msk $0xffff, v10  }
0xa5: {  	[tilespmem:v14+s14+$0x0] =	vst.idx.msk $0xffff, v13  }
0xa6: {  	v14 =	vor.u32 v8, v12;
	v13 =	vld [tilespmem:s25+$0x1060];
	_ =	sdelay $0x1  }
0xa7: {  	s26 =	simm.s32 $0x4;
	v12 =	vor.u32 v9, v12;
	v11 =	vld [tilespmem:s25+$0x1070]  }
0xa8: {  	v10 =	vmov s26  }
0xa9: {  	v10 =	vand.u32 $0x7C, v10  }
0xaa: {  	s28 =	simm.s32 $0x8;
	v10 =	vbroadcast v10, $0x0;
	[tilespmem:v14+s14+$0x0] =	vst.idx.msk $0xffff, v13  }
.LBB2_5:
0xab: {  	p0 =	sne.s32 s28, $0x7C  }
0xac: {  	[tilespmem:v12+s14+$0x0] =	vst.idx.msk $0xffff, v11;
	s25 =	sadd.s32 $0x80, s25;
	s29 =	smov.u32 s28;
	s28 =	sadd.s32 $0x4, s28  }
0xad: {  	v11 =	vld [tilespmem:s25+$0xFFFFE000];
	v12 =	vor.u32 v2, v10  }
0xae: {  	v14 =	vor.u32 v3, v10;
	v13 =	vld [tilespmem:s25+$0xFFFFE010];
	_ =	sdelay $0x3  }
0xaf: {  	[tilespmem:v12+s14+$0x0] =	vst.idx.msk $0xffff, v11  }
0xb0: {  	[tilespmem:v14+s14+$0x0] =	vst.idx.msk $0xffff, v13  }
0xb1: {  	v12 =	vor.u32 v4, v10;
	v11 =	vld [tilespmem:s25+$0xFFFFF000]  }
0xb2: {  	v14 =	vor.u32 v5, v10;
	v13 =	vld [tilespmem:s25+$0xFFFFF010];
	_ =	sdelay $0x3  }
0xb3: {  	[tilespmem:v12+s14+$0x0] =	vst.idx.msk $0xffff, v11  }
0xb4: {  	[tilespmem:v14+s14+$0x0] =	vst.idx.msk $0xffff, v13  }
0xb5: {  	v12 =	vor.u32 v6, v10;
	v11 =	vld [tilespmem:s25+$0x0]  }
0xb6: {  	v14 =	vor.u32 v7, v10;
	v13 =	vld [tilespmem:s25+$0x10];
	_ =	sdelay $0x3  }
0xb7: {  	[tilespmem:v12+s14+$0x0] =	vst.idx.msk $0xffff, v11  }
0xb8: {  	[tilespmem:v14+s14+$0x0] =	vst.idx.msk $0xffff, v13  }
0xb9: {  	v12 =	vor.u32 v8, v10;
	v11 =	vld [tilespmem:s25+$0x1000]  }
0xba: {  	v10 =	vor.u32 v9, v10;
	v13 =	vld [tilespmem:s25+$0x1010]  }
0xbb: {  	s30 =	sadd.s32 $0x1, s26  }
0xbc: {  	v14 =	vmov s30  }
0xbd: {  	v14 =	vand.u32 $0x7D, v14  }
0xbe: {  	[tilespmem:v12+s14+$0x0] =	vst.idx.msk $0xffff, v11;
	v11 =	vbroadcast v14, $0x0  }
0xbf: {  	[tilespmem:v10+s14+$0x0] =	vst.idx.msk $0xffff, v13  }
0xc0: {  	v10 =	vld [tilespmem:s25+$0xFFFFE020];
	v12 =	vor.u32 v2, v11  }
0xc1: {  	v14 =	vor.u32 v3, v11;
	v13 =	vld [tilespmem:s25+$0xFFFFE030];
	_ =	sdelay $0x3  }
0xc2: {  	[tilespmem:v12+s14+$0x0] =	vst.idx.msk $0xffff, v10  }
0xc3: {  	[tilespmem:v14+s14+$0x0] =	vst.idx.msk $0xffff, v13  }
0xc4: {  	v12 =	vor.u32 v4, v11;
	v10 =	vld [tilespmem:s25+$0xFFFFF020]  }
0xc5: {  	v14 =	vor.u32 v5, v11;
	v13 =	vld [tilespmem:s25+$0xFFFFF030];
	_ =	sdelay $0x3  }
0xc6: {  	[tilespmem:v12+s14+$0x0] =	vst.idx.msk $0xffff, v10  }
0xc7: {  	[tilespmem:v14+s14+$0x0] =	vst.idx.msk $0xffff, v13  }
0xc8: {  	v12 =	vor.u32 v6, v11;
	v10 =	vld [tilespmem:s25+$0x20]  }
0xc9: {  	v14 =	vor.u32 v7, v11;
	v13 =	vld [tilespmem:s25+$0x30];
	_ =	sdelay $0x3  }
0xca: {  	[tilespmem:v12+s14+$0x0] =	vst.idx.msk $0xffff, v10  }
0xcb: {  	[tilespmem:v14+s14+$0x0] =	vst.idx.msk $0xffff, v13  }
0xcc: {  	v12 =	vor.u32 v8, v11;
	v10 =	vld [tilespmem:s25+$0x1020]  }
0xcd: {  	v11 =	vor.u32 v9, v11;
	v13 =	vld [tilespmem:s25+$0x1030]  }
0xce: {  	s30 =	sadd.s32 $0x2, s26  }
0xcf: {  	v14 =	vmov s30  }
0xd0: {  	v14 =	vand.u32 $0x7E, v14  }
0xd1: {  	[tilespmem:v12+s14+$0x0] =	vst.idx.msk $0xffff, v10;
	v10 =	vbroadcast v14, $0x0  }
0xd2: {  	[tilespmem:v11+s14+$0x0] =	vst.idx.msk $0xffff, v13  }
0xd3: {  	v11 =	vld [tilespmem:s25+$0xFFFFE040];
	v12 =	vor.u32 v2, v10  }
0xd4: {  	v14 =	vor.u32 v3, v10;
	v13 =	vld [tilespmem:s25+$0xFFFFE050];
	_ =	sdelay $0x3  }
0xd5: {  	[tilespmem:v12+s14+$0x0] =	vst.idx.msk $0xffff, v11  }
0xd6: {  	[tilespmem:v14+s14+$0x0] =	vst.idx.msk $0xffff, v13  }
0xd7: {  	v12 =	vor.u32 v4, v10;
	v11 =	vld [tilespmem:s25+$0xFFFFF040]  }
0xd8: {  	v14 =	vor.u32 v5, v10;
	v13 =	vld [tilespmem:s25+$0xFFFFF050];
	_ =	sdelay $0x3  }
0xd9: {  	[tilespmem:v12+s14+$0x0] =	vst.idx.msk $0xffff, v11  }
0xda: {  	[tilespmem:v14+s14+$0x0] =	vst.idx.msk $0xffff, v13  }
0xdb: {  	v12 =	vor.u32 v6, v10;
	v11 =	vld [tilespmem:s25+$0x40]  }
0xdc: {  	v14 =	vor.u32 v7, v10;
	v13 =	vld [tilespmem:s25+$0x50];
	_ =	sdelay $0x3  }
0xdd: {  	[tilespmem:v12+s14+$0x0] =	vst.idx.msk $0xffff, v11  }
0xde: {  	[tilespmem:v14+s14+$0x0] =	vst.idx.msk $0xffff, v13  }
0xdf: {  	v12 =	vor.u32 v8, v10;
	v11 =	vld [tilespmem:s25+$0x1040]  }
0xe0: {  	v10 =	vor.u32 v9, v10;
	v13 =	vld [tilespmem:s25+$0x1050]  }
0xe1: {  	s30 =	sadd.s32 $0x3, s26;
	s26 =	smov.u32 s29  }
0xe2: {  	v14 =	vmov s30  }
0xe3: {  	v14 =	vand.u32 $0x7F, v14  }
0xe4: {  	[tilespmem:v12+s14+$0x0] =	vst.idx.msk $0xffff, v11;
	v12 =	vbroadcast v14, $0x0  }
0xe5: {  	[tilespmem:v10+s14+$0x0] =	vst.idx.msk $0xffff, v13  }
0xe6: {  	v10 =	vld [tilespmem:s25+$0xFFFFE060];
	v11 =	vor.u32 v2, v12  }
0xe7: {  	v14 =	vor.u32 v3, v12;
	v13 =	vld [tilespmem:s25+$0xFFFFE070];
	_ =	sdelay $0x3  }
0xe8: {  	[tilespmem:v11+s14+$0x0] =	vst.idx.msk $0xffff, v10  }
0xe9: {  	[tilespmem:v14+s14+$0x0] =	vst.idx.msk $0xffff, v13  }
0xea: {  	v11 =	vor.u32 v4, v12;
	v10 =	vld [tilespmem:s25+$0xFFFFF060]  }
0xeb: {  	v14 =	vor.u32 v5, v12;
	v13 =	vld [tilespmem:s25+$0xFFFFF070];
	_ =	sdelay $0x3  }
0xec: {  	[tilespmem:v11+s14+$0x0] =	vst.idx.msk $0xffff, v10  }
0xed: {  	[tilespmem:v14+s14+$0x0] =	vst.idx.msk $0xffff, v13  }
0xee: {  	v11 =	vor.u32 v6, v12;
	v10 =	vld [tilespmem:s25+$0x60]  }
0xef: {  	v14 =	vor.u32 v7, v12;
	v13 =	vld [tilespmem:s25+$0x70];
	_ =	sdelay $0x3  }
0xf0: {  	[tilespmem:v11+s14+$0x0] =	vst.idx.msk $0xffff, v10  }
0xf1: {  	[tilespmem:v14+s14+$0x0] =	vst.idx.msk $0xffff, v13  }
0xf2: {  	v14 =	vor.u32 v8, v12;
	v13 =	vld [tilespmem:s25+$0x1060]  }
.Ltmp1:
0xf3: {  	v12 =	vor.u32 v9, v12;
	v11 =	vld [tilespmem:s25+$0x1070];
	(pc) =	sbr.rel @p0 .LBB2_5-.Ltmp1, $4  }
0xf4: {  	_ = 	snop  }
0xf5: {  	v10 =	vmov s26  }
0xf6: {  	v10 =	vand.u32 $0x7C, v10  }
0xf7: {  	v10 =	vbroadcast v10, $0x0;
	[tilespmem:v14+s14+$0x0] =	vst.idx.msk $0xffff, v13  }
0xf8: {  	_ =	sdelay $0x3  }
0xf9: {  	[tilespmem:v12+s14+$0x0] =	vst.idx.msk $0xffff, v11;
	s25 =	sadd.s32 $0x80, s25  }
0xfa: {  	v11 =	vld [tilespmem:s25+$0xFFFFE000];
	v12 =	vor.u32 v2, v10  }
0xfb: {  	v13 =	vld [tilespmem:s25+$0xFFFFE010];
	v14 =	vor.u32 v3, v10;
	_ =	sdelay $0x3  }
0xfc: {  	[tilespmem:v12+s14+$0x0] =	vst.idx.msk $0xffff, v11  }
0xfd: {  	[tilespmem:v14+s14+$0x0] =	vst.idx.msk $0xffff, v13  }
0xfe: {  	v12 =	vor.u32 v4, v10;
	v11 =	vld [tilespmem:s25+$0xFFFFF000]  }
0xff: {  	v14 =	vor.u32 v5, v10;
	v13 =	vld [tilespmem:s25+$0xFFFFF010];
	_ =	sdelay $0x3  }
0x100: {  	[tilespmem:v12+s14+$0x0] =	vst.idx.msk $0xffff, v11  }
0x101: {  	[tilespmem:v14+s14+$0x0] =	vst.idx.msk $0xffff, v13  }
0x102: {  	v12 =	vor.u32 v6, v10;
	v11 =	vld [tilespmem:s25+$0x0]  }
0x103: {  	v14 =	vor.u32 v7, v10;
	v13 =	vld [tilespmem:s25+$0x10];
	_ =	sdelay $0x3  }
0x104: {  	[tilespmem:v12+s14+$0x0] =	vst.idx.msk $0xffff, v11  }
0x105: {  	[tilespmem:v14+s14+$0x0] =	vst.idx.msk $0xffff, v13  }
0x106: {  	v12 =	vor.u32 v8, v10;
	v11 =	vld [tilespmem:s25+$0x1000]  }
0x107: {  	v10 =	vor.u32 v9, v10;
	v13 =	vld [tilespmem:s25+$0x1010]  }
0x108: {  	s28 =	sadd.s32 $0x1, s26  }
0x109: {  	v14 =	vmov s28  }
0x10a: {  	v14 =	vand.u32 $0x7D, v14  }
0x10b: {  	[tilespmem:v12+s14+$0x0] =	vst.idx.msk $0xffff, v11;
	v11 =	vbroadcast v14, $0x0  }
0x10c: {  	[tilespmem:v10+s14+$0x0] =	vst.idx.msk $0xffff, v13  }
0x10d: {  	v10 =	vld [tilespmem:s25+$0xFFFFE020];
	v12 =	vor.u32 v2, v11  }
0x10e: {  	v13 =	vld [tilespmem:s25+$0xFFFFE030];
	v14 =	vor.u32 v3, v11;
	_ =	sdelay $0x3  }
0x10f: {  	[tilespmem:v12+s14+$0x0] =	vst.idx.msk $0xffff, v10  }
0x110: {  	[tilespmem:v14+s14+$0x0] =	vst.idx.msk $0xffff, v13  }
0x111: {  	v12 =	vor.u32 v4, v11;
	v10 =	vld [tilespmem:s25+$0xFFFFF020]  }
0x112: {  	v14 =	vor.u32 v5, v11;
	v13 =	vld [tilespmem:s25+$0xFFFFF030];
	_ =	sdelay $0x3  }
0x113: {  	[tilespmem:v12+s14+$0x0] =	vst.idx.msk $0xffff, v10  }
0x114: {  	[tilespmem:v14+s14+$0x0] =	vst.idx.msk $0xffff, v13  }
0x115: {  	v12 =	vor.u32 v6, v11;
	v10 =	vld [tilespmem:s25+$0x20]  }
0x116: {  	v14 =	vor.u32 v7, v11;
	v13 =	vld [tilespmem:s25+$0x30];
	_ =	sdelay $0x3  }
0x117: {  	[tilespmem:v12+s14+$0x0] =	vst.idx.msk $0xffff, v10  }
0x118: {  	[tilespmem:v14+s14+$0x0] =	vst.idx.msk $0xffff, v13  }
0x119: {  	v12 =	vor.u32 v8, v11;
	v10 =	vld [tilespmem:s25+$0x1020]  }
0x11a: {  	v11 =	vor.u32 v9, v11;
	v13 =	vld [tilespmem:s25+$0x1030]  }
0x11b: {  	s28 =	sadd.s32 $0x2, s26  }
0x11c: {  	v14 =	vmov s28  }
0x11d: {  	v14 =	vand.u32 $0x7E, v14  }
0x11e: {  	[tilespmem:v12+s14+$0x0] =	vst.idx.msk $0xffff, v10;
	v10 =	vbroadcast v14, $0x0  }
0x11f: {  	[tilespmem:v11+s14+$0x0] =	vst.idx.msk $0xffff, v13  }
0x120: {  	v11 =	vld [tilespmem:s25+$0xFFFFE040];
	v12 =	vor.u32 v2, v10  }
0x121: {  	v13 =	vld [tilespmem:s25+$0xFFFFE050];
	v14 =	vor.u32 v3, v10;
	_ =	sdelay $0x3  }
0x122: {  	[tilespmem:v12+s14+$0x0] =	vst.idx.msk $0xffff, v11  }
0x123: {  	[tilespmem:v14+s14+$0x0] =	vst.idx.msk $0xffff, v13  }
0x124: {  	v12 =	vor.u32 v4, v10;
	v11 =	vld [tilespmem:s25+$0xFFFFF040]  }
0x125: {  	v14 =	vor.u32 v5, v10;
	v13 =	vld [tilespmem:s25+$0xFFFFF050];
	_ =	sdelay $0x3  }
0x126: {  	[tilespmem:v12+s14+$0x0] =	vst.idx.msk $0xffff, v11  }
0x127: {  	[tilespmem:v14+s14+$0x0] =	vst.idx.msk $0xffff, v13  }
0x128: {  	v12 =	vor.u32 v6, v10;
	v11 =	vld [tilespmem:s25+$0x40]  }
0x129: {  	v14 =	vor.u32 v7, v10;
	v13 =	vld [tilespmem:s25+$0x50];
	_ =	sdelay $0x3  }
0x12a: {  	[tilespmem:v12+s14+$0x0] =	vst.idx.msk $0xffff, v11  }
0x12b: {  	[tilespmem:v14+s14+$0x0] =	vst.idx.msk $0xffff, v13  }
0x12c: {  	v12 =	vor.u32 v8, v10;
	v11 =	vld [tilespmem:s25+$0x1040]  }
0x12d: {  	v10 =	vor.u32 v9, v10;
	v13 =	vld [tilespmem:s25+$0x1050]  }
0x12e: {  	s31 =	sadd.s32 $0x3, s26  }
0x12f: {  	v14 =	vmov s31  }
0x130: {  	v14 =	vand.u32 $0x7F, v14  }
0x131: {  	[tilespmem:v12+s14+$0x0] =	vst.idx.msk $0xffff, v11;
	v11 =	vbroadcast v14, $0x0  }
0x132: {  	[tilespmem:v10+s14+$0x0] =	vst.idx.msk $0xffff, v13  }
0x133: {  	v10 =	vld [tilespmem:s25+$0xFFFFE060];
	v12 =	vor.u32 v2, v11  }
0x134: {  	v13 =	vld [tilespmem:s25+$0xFFFFE070];
	v14 =	vor.u32 v3, v11;
	_ =	sdelay $0x3  }
0x135: {  	[tilespmem:v12+s14+$0x0] =	vst.idx.msk $0xffff, v10  }
0x136: {  	[tilespmem:v14+s14+$0x0] =	vst.idx.msk $0xffff, v13  }
0x137: {  	v12 =	vor.u32 v4, v11;
	v10 =	vld [tilespmem:s25+$0xFFFFF060]  }
0x138: {  	v14 =	vor.u32 v5, v11;
	v13 =	vld [tilespmem:s25+$0xFFFFF070];
	_ =	sdelay $0x3  }
0x139: {  	[tilespmem:v12+s14+$0x0] =	vst.idx.msk $0xffff, v10  }
0x13a: {  	[tilespmem:v14+s14+$0x0] =	vst.idx.msk $0xffff, v13  }
0x13b: {  	v12 =	vor.u32 v6, v11;
	v10 =	vld [tilespmem:s25+$0x60]  }
0x13c: {  	v14 =	vor.u32 v7, v11;
	v13 =	vld [tilespmem:s25+$0x70];
	_ =	sdelay $0x3  }
0x13d: {  	[tilespmem:v12+s14+$0x0] =	vst.idx.msk $0xffff, v10  }
0x13e: {  	[tilespmem:v14+s14+$0x0] =	vst.idx.msk $0xffff, v13  }
0x13f: {  	v12 =	vor.u32 v8, v11;
	v10 =	vld [tilespmem:s25+$0x1060]  }
0x140: {  	v11 =	vor.u32 v9, v11;
	v13 =	vld [tilespmem:s25+$0x1070];
	_ =	sdelay $0x2  }
0x141: {  	s29 =	sshll.u32 s23, $0x11  }
0x142: {  	s25 =	sadd.s32 s2, s29;
	[tilespmem:v12+s14+$0x0] =	vst.idx.msk $0xffff, v10  }
0x143: {  	p0 =	seq.s32 s23, $0x18;
	s30 =	simm.s32 $0x0;
	s25 =	sadd.s32 s6, s25;
	[tilespmem:v11+s14+$0x0] =	vst.idx.msk $0xffff, v13  }
0x144: {  	[hbm4b:s25+s15] =	stream.strided.scatter [tilespmem:s14], [sflag:$0x3], $0x4000, s16, s15, $0x38;
	[tilespmem:$0x1C800] =	vst v63  }
0x145: {  	p1 =	seq.s32 @!p0 s23, $0x0;
	s25 =	sshll.u32 @!p0 s23, $0xA;
	_ =	swait.ge [sflag:s17], $0x4000  }
0x146: {  	s26 =	simm.s32 @!p0 $0x200;
	s25 =	sand.u32 @!p0 $0x3FFFFC00, s25;
	[sflag:s17] =	ssyncset.done $0x0  }
0x147: {  	s28 =	simm.s32 @!p0 $0xC800;
	s25 =	sadd.s32 @!p0 $0x6800, s25;
	[sflag:s17] =	ssyncadd.s32 $0xFFFFC000  }
0x148: {  	[tilespmem:s28], [sflag:$0x1] =	stream.indirect.gather @!p0 [hbm4b:s4+s26], $0x20, s25, s26, $0xb8;
	[tilespmem:$0x1C800] =	vst v63  }
0x149: {  	v10 =	vmov s30;
	p0 =	por p0, !p1  }
0x14a: {  	v10 =	vand.u32 $0x7C, v10;
	_ =	swait.ge @p0 [sflag:s20], $0x4000  }
0x14b: {  	v10 =	vbroadcast v10, $0x0;
	[sflag:s20] =	ssyncset.done @p0 $0x0  }
0x14c: {  	s25 =	simm.s32 $0x0;
	[sflag:s20] =	ssyncadd.s32 @p0 $0xFFFFC000  }
0x14d: {  	v12 =	vor.u32 v2, v10;
	v11 =	vld [tilespmem:s25+$0x10800]  }
0x14e: {  	v14 =	vor.u32 v3, v10;
	v13 =	vld [tilespmem:s25+$0x10810];
	_ =	sdelay $0x3  }
0x14f: {  	[tilespmem:v12+s18+$0x0] =	vst.idx.msk $0xffff, v11  }
0x150: {  	[tilespmem:v14+s18+$0x0] =	vst.idx.msk $0xffff, v13  }
0x151: {  	v12 =	vor.u32 v4, v10;
	v11 =	vld [tilespmem:s25+$0x11800]  }
0x152: {  	v14 =	vor.u32 v5, v10;
	v13 =	vld [tilespmem:s25+$0x11810];
	_ =	sdelay $0x3  }
0x153: {  	[tilespmem:v12+s18+$0x0] =	vst.idx.msk $0xffff, v11  }
0x154: {  	[tilespmem:v14+s18+$0x0] =	vst.idx.msk $0xffff, v13  }
0x155: {  	v12 =	vor.u32 v6, v10;
	v11 =	vld [tilespmem:s25+$0x12800]  }
0x156: {  	v14 =	vor.u32 v7, v10;
	v13 =	vld [tilespmem:s25+$0x12810];
	_ =	sdelay $0x3  }
0x157: {  	[tilespmem:v12+s18+$0x0] =	vst.idx.msk $0xffff, v11  }
0x158: {  	[tilespmem:v14+s18+$0x0] =	vst.idx.msk $0xffff, v13  }
0x159: {  	v12 =	vor.u32 v8, v10;
	v11 =	vld [tilespmem:s25+$0x13800]  }
0x15a: {  	v10 =	vor.u32 v9, v10;
	v13 =	vld [tilespmem:s25+$0x13810]  }
0x15b: {  	s31 =	simm.s32 $0x1  }
0x15c: {  	v14 =	vmov s31  }
0x15d: {  	v14 =	vand.u32 $0x7D, v14  }
0x15e: {  	[tilespmem:v12+s18+$0x0] =	vst.idx.msk $0xffff, v11;
	v11 =	vbroadcast v14, $0x0  }
0x15f: {  	[tilespmem:v10+s18+$0x0] =	vst.idx.msk $0xffff, v13  }
0x160: {  	v10 =	vld [tilespmem:s25+$0x10820];
	v12 =	vor.u32 v2, v11  }
0x161: {  	v13 =	vld [tilespmem:s25+$0x10830];
	v14 =	vor.u32 v3, v11;
	_ =	sdelay $0x3  }
0x162: {  	[tilespmem:v12+s18+$0x0] =	vst.idx.msk $0xffff, v10  }
0x163: {  	[tilespmem:v14+s18+$0x0] =	vst.idx.msk $0xffff, v13  }
0x164: {  	v12 =	vor.u32 v4, v11;
	v10 =	vld [tilespmem:s25+$0x11820]  }
0x165: {  	v14 =	vor.u32 v5, v11;
	v13 =	vld [tilespmem:s25+$0x11830];
	_ =	sdelay $0x3  }
0x166: {  	[tilespmem:v12+s18+$0x0] =	vst.idx.msk $0xffff, v10  }
0x167: {  	[tilespmem:v14+s18+$0x0] =	vst.idx.msk $0xffff, v13  }
0x168: {  	v12 =	vor.u32 v6, v11;
	v10 =	vld [tilespmem:s25+$0x12820]  }
0x169: {  	v14 =	vor.u32 v7, v11;
	v13 =	vld [tilespmem:s25+$0x12830];
	_ =	sdelay $0x3  }
0x16a: {  	[tilespmem:v12+s18+$0x0] =	vst.idx.msk $0xffff, v10  }
0x16b: {  	[tilespmem:v14+s18+$0x0] =	vst.idx.msk $0xffff, v13  }
0x16c: {  	v12 =	vor.u32 v8, v11;
	v10 =	vld [tilespmem:s25+$0x13820]  }
0x16d: {  	v11 =	vor.u32 v9, v11;
	v13 =	vld [tilespmem:s25+$0x13830]  }
0x16e: {  	s29 =	simm.s32 $0x2  }
0x16f: {  	v14 =	vmov s29  }
0x170: {  	v14 =	vand.u32 $0x7E, v14  }
0x171: {  	[tilespmem:v12+s18+$0x0] =	vst.idx.msk $0xffff, v10;
	v10 =	vbroadcast v14, $0x0  }
0x172: {  	[tilespmem:v11+s18+$0x0] =	vst.idx.msk $0xffff, v13  }
0x173: {  	v11 =	vld [tilespmem:s25+$0x10840];
	v12 =	vor.u32 v2, v10  }
0x174: {  	v13 =	vld [tilespmem:s25+$0x10850];
	v14 =	vor.u32 v3, v10;
	_ =	sdelay $0x3  }
0x175: {  	[tilespmem:v12+s18+$0x0] =	vst.idx.msk $0xffff, v11  }
0x176: {  	[tilespmem:v14+s18+$0x0] =	vst.idx.msk $0xffff, v13  }
0x177: {  	v12 =	vor.u32 v4, v10;
	v11 =	vld [tilespmem:s25+$0x11840]  }
0x178: {  	v14 =	vor.u32 v5, v10;
	v13 =	vld [tilespmem:s25+$0x11850];
	_ =	sdelay $0x3  }
0x179: {  	[tilespmem:v12+s18+$0x0] =	vst.idx.msk $0xffff, v11  }
0x17a: {  	[tilespmem:v14+s18+$0x0] =	vst.idx.msk $0xffff, v13  }
0x17b: {  	v12 =	vor.u32 v6, v10;
	v11 =	vld [tilespmem:s25+$0x12840]  }
0x17c: {  	v14 =	vor.u32 v7, v10;
	v13 =	vld [tilespmem:s25+$0x12850];
	_ =	sdelay $0x3  }
0x17d: {  	[tilespmem:v12+s18+$0x0] =	vst.idx.msk $0xffff, v11  }
0x17e: {  	[tilespmem:v14+s18+$0x0] =	vst.idx.msk $0xffff, v13  }
0x17f: {  	v12 =	vor.u32 v8, v10;
	v11 =	vld [tilespmem:s25+$0x13840]  }
0x180: {  	v10 =	vor.u32 v9, v10;
	v13 =	vld [tilespmem:s25+$0x13850]  }
0x181: {  	s30 =	simm.s32 $0x3  }
0x182: {  	v14 =	vmov s30  }
0x183: {  	v14 =	vand.u32 $0x7F, v14  }
0x184: {  	[tilespmem:v12+s18+$0x0] =	vst.idx.msk $0xffff, v11;
	v12 =	vbroadcast v14, $0x0  }
0x185: {  	[tilespmem:v10+s18+$0x0] =	vst.idx.msk $0xffff, v13  }
0x186: {  	v10 =	vld [tilespmem:s25+$0x10860];
	v11 =	vor.u32 v2, v12  }
0x187: {  	v13 =	vld [tilespmem:s25+$0x10870];
	v14 =	vor.u32 v3, v12;
	_ =	sdelay $0x3  }
0x188: {  	[tilespmem:v11+s18+$0x0] =	vst.idx.msk $0xffff, v10  }
0x189: {  	[tilespmem:v14+s18+$0x0] =	vst.idx.msk $0xffff, v13  }
0x18a: {  	v11 =	vor.u32 v4, v12;
	v10 =	vld [tilespmem:s25+$0x11860]  }
0x18b: {  	v14 =	vor.u32 v5, v12;
	v13 =	vld [tilespmem:s25+$0x11870];
	_ =	sdelay $0x3  }
0x18c: {  	[tilespmem:v11+s18+$0x0] =	vst.idx.msk $0xffff, v10  }
0x18d: {  	[tilespmem:v14+s18+$0x0] =	vst.idx.msk $0xffff, v13  }
0x18e: {  	v11 =	vor.u32 v6, v12;
	v10 =	vld [tilespmem:s25+$0x12860]  }
0x18f: {  	v14 =	vor.u32 v7, v12;
	v13 =	vld [tilespmem:s25+$0x12870];
	_ =	sdelay $0x3  }
0x190: {  	[tilespmem:v11+s18+$0x0] =	vst.idx.msk $0xffff, v10  }
0x191: {  	[tilespmem:v14+s18+$0x0] =	vst.idx.msk $0xffff, v13  }
0x192: {  	v14 =	vor.u32 v8, v12;
	v13 =	vld [tilespmem:s25+$0x13860]  }
0x193: {  	v12 =	vor.u32 v9, v12;
	v11 =	vld [tilespmem:s25+$0x13870]  }
0x194: {  	s31 =	simm.s32 $0x4  }
0x195: {  	v10 =	vmov s31  }
0x196: {  	v10 =	vand.u32 $0x7C, v10  }
0x197: {  	s28 =	simm.s32 $0x400;
	s26 =	simm.s32 $0x7;
	s25 =	simm.s32 $0x80;
	v10 =	vbroadcast v10, $0x0;
	[tilespmem:v14+s18+$0x0] =	vst.idx.msk $0xffff, v13  }
.LBB2_7:
0x198: {  	s29 =	sshra.s32 s28, $0x2;
	p0 =	sne.s32 s28, $0x3E00;
	s28 =	sadd.s32 $0x200, s28;
	[tilespmem:v12+s18+$0x0] =	vst.idx.msk $0xffff, v11  }
0x199: {  	v11 =	vld [tilespmem:s25+$0x10800];
	v12 =	vor.u32 v2, v10  }
0x19a: {  	v14 =	vor.u32 v3, v10;
	v13 =	vld [tilespmem:s25+$0x10810];
	_ =	sdelay $0x3  }
0x19b: {  	[tilespmem:v12+s18+$0x0] =	vst.idx.msk $0xffff, v11  }
0x19c: {  	[tilespmem:v14+s18+$0x0] =	vst.idx.msk $0xffff, v13  }
0x19d: {  	v12 =	vor.u32 v4, v10;
	v11 =	vld [tilespmem:s25+$0x11800]  }
0x19e: {  	v14 =	vor.u32 v5, v10;
	v13 =	vld [tilespmem:s25+$0x11810];
	_ =	sdelay $0x3  }
0x19f: {  	[tilespmem:v12+s18+$0x0] =	vst.idx.msk $0xffff, v11  }
0x1a0: {  	[tilespmem:v14+s18+$0x0] =	vst.idx.msk $0xffff, v13  }
0x1a1: {  	v12 =	vor.u32 v6, v10;
	v11 =	vld [tilespmem:s25+$0x12800]  }
0x1a2: {  	v14 =	vor.u32 v7, v10;
	v13 =	vld [tilespmem:s25+$0x12810];
	_ =	sdelay $0x3  }
0x1a3: {  	[tilespmem:v12+s18+$0x0] =	vst.idx.msk $0xffff, v11  }
0x1a4: {  	[tilespmem:v14+s18+$0x0] =	vst.idx.msk $0xffff, v13  }
0x1a5: {  	v12 =	vor.u32 v8, v10;
	v11 =	vld [tilespmem:s25+$0x13800]  }
0x1a6: {  	v10 =	vor.u32 v9, v10;
	v13 =	vld [tilespmem:s25+$0x13810]  }
0x1a7: {  	s30 =	sadd.s32 $0xFFFFFFFE, s26  }
0x1a8: {  	v14 =	vmov s30  }
0x1a9: {  	v14 =	vand.u32 $0x7D, v14  }
0x1aa: {  	[tilespmem:v12+s18+$0x0] =	vst.idx.msk $0xffff, v11;
	v11 =	vbroadcast v14, $0x0  }
0x1ab: {  	[tilespmem:v10+s18+$0x0] =	vst.idx.msk $0xffff, v13  }
0x1ac: {  	v10 =	vld [tilespmem:s25+$0x10820];
	v12 =	vor.u32 v2, v11  }
0x1ad: {  	v14 =	vor.u32 v3, v11;
	v13 =	vld [tilespmem:s25+$0x10830];
	_ =	sdelay $0x3  }
0x1ae: {  	[tilespmem:v12+s18+$0x0] =	vst.idx.msk $0xffff, v10  }
0x1af: {  	[tilespmem:v14+s18+$0x0] =	vst.idx.msk $0xffff, v13  }
0x1b0: {  	v12 =	vor.u32 v4, v11;
	v10 =	vld [tilespmem:s25+$0x11820]  }
0x1b1: {  	v14 =	vor.u32 v5, v11;
	v13 =	vld [tilespmem:s25+$0x11830];
	_ =	sdelay $0x3  }
0x1b2: {  	[tilespmem:v12+s18+$0x0] =	vst.idx.msk $0xffff, v10  }
0x1b3: {  	[tilespmem:v14+s18+$0x0] =	vst.idx.msk $0xffff, v13  }
0x1b4: {  	v12 =	vor.u32 v6, v11;
	v10 =	vld [tilespmem:s25+$0x12820]  }
0x1b5: {  	v14 =	vor.u32 v7, v11;
	v13 =	vld [tilespmem:s25+$0x12830];
	_ =	sdelay $0x3  }
0x1b6: {  	[tilespmem:v12+s18+$0x0] =	vst.idx.msk $0xffff, v10  }
0x1b7: {  	[tilespmem:v14+s18+$0x0] =	vst.idx.msk $0xffff, v13  }
0x1b8: {  	v12 =	vor.u32 v8, v11;
	v10 =	vld [tilespmem:s25+$0x13820]  }
0x1b9: {  	v11 =	vor.u32 v9, v11;
	v13 =	vld [tilespmem:s25+$0x13830]  }
0x1ba: {  	s30 =	sadd.s32 $0xFFFFFFFF, s26  }
0x1bb: {  	v14 =	vmov s30  }
0x1bc: {  	v14 =	vand.u32 $0x7E, v14  }
0x1bd: {  	[tilespmem:v12+s18+$0x0] =	vst.idx.msk $0xffff, v10;
	v10 =	vbroadcast v14, $0x0  }
0x1be: {  	[tilespmem:v11+s18+$0x0] =	vst.idx.msk $0xffff, v13  }
0x1bf: {  	v11 =	vld [tilespmem:s25+$0x10840];
	v12 =	vor.u32 v2, v10  }
0x1c0: {  	v14 =	vor.u32 v3, v10;
	v13 =	vld [tilespmem:s25+$0x10850];
	_ =	sdelay $0x3  }
0x1c1: {  	[tilespmem:v12+s18+$0x0] =	vst.idx.msk $0xffff, v11  }
0x1c2: {  	[tilespmem:v14+s18+$0x0] =	vst.idx.msk $0xffff, v13  }
0x1c3: {  	v12 =	vor.u32 v4, v10;
	v11 =	vld [tilespmem:s25+$0x11840]  }
0x1c4: {  	v14 =	vor.u32 v5, v10;
	v13 =	vld [tilespmem:s25+$0x11850];
	_ =	sdelay $0x3  }
0x1c5: {  	[tilespmem:v12+s18+$0x0] =	vst.idx.msk $0xffff, v11  }
0x1c6: {  	[tilespmem:v14+s18+$0x0] =	vst.idx.msk $0xffff, v13  }
0x1c7: {  	v12 =	vor.u32 v6, v10;
	v11 =	vld [tilespmem:s25+$0x12840]  }
0x1c8: {  	v14 =	vor.u32 v7, v10;
	v13 =	vld [tilespmem:s25+$0x12850];
	_ =	sdelay $0x3  }
0x1c9: {  	[tilespmem:v12+s18+$0x0] =	vst.idx.msk $0xffff, v11  }
0x1ca: {  	[tilespmem:v14+s18+$0x0] =	vst.idx.msk $0xffff, v13  }
0x1cb: {  	v12 =	vor.u32 v8, v10;
	v11 =	vld [tilespmem:s25+$0x13840]  }
0x1cc: {  	v10 =	vor.u32 v9, v10;
	v13 =	vld [tilespmem:s25+$0x13850];
	_ =	sdelay $0x1  }
0x1cd: {  	v14 =	vmov s26  }
0x1ce: {  	v14 =	vand.u32 $0x7F, v14  }
0x1cf: {  	[tilespmem:v12+s18+$0x0] =	vst.idx.msk $0xffff, v11;
	v12 =	vbroadcast v14, $0x0  }
0x1d0: {  	[tilespmem:v10+s18+$0x0] =	vst.idx.msk $0xffff, v13  }
0x1d1: {  	v10 =	vld [tilespmem:s25+$0x10860];
	v11 =	vor.u32 v2, v12  }
0x1d2: {  	v14 =	vor.u32 v3, v12;
	v13 =	vld [tilespmem:s25+$0x10870];
	_ =	sdelay $0x3  }
0x1d3: {  	[tilespmem:v11+s18+$0x0] =	vst.idx.msk $0xffff, v10  }
0x1d4: {  	[tilespmem:v14+s18+$0x0] =	vst.idx.msk $0xffff, v13  }
0x1d5: {  	v11 =	vor.u32 v4, v12;
	v10 =	vld [tilespmem:s25+$0x11860]  }
0x1d6: {  	v14 =	vor.u32 v5, v12;
	v13 =	vld [tilespmem:s25+$0x11870];
	_ =	sdelay $0x3  }
0x1d7: {  	[tilespmem:v11+s18+$0x0] =	vst.idx.msk $0xffff, v10  }
0x1d8: {  	[tilespmem:v14+s18+$0x0] =	vst.idx.msk $0xffff, v13  }
0x1d9: {  	v11 =	vor.u32 v6, v12;
	v10 =	vld [tilespmem:s25+$0x12860]  }
0x1da: {  	v14 =	vor.u32 v7, v12;
	v13 =	vld [tilespmem:s25+$0x12870];
	_ =	sdelay $0x3  }
0x1db: {  	[tilespmem:v11+s18+$0x0] =	vst.idx.msk $0xffff, v10  }
0x1dc: {  	[tilespmem:v14+s18+$0x0] =	vst.idx.msk $0xffff, v13  }
0x1dd: {  	v14 =	vor.u32 v8, v12;
	v13 =	vld [tilespmem:s25+$0x13860]  }
.Ltmp2:
0x1de: {  	s26 =	sadd.s32 $0x4, s26;
	v12 =	vor.u32 v9, v12;
	v11 =	vld [tilespmem:s25+$0x13870];
	s25 =	smov.u32 s29;
	(pc) =	sbr.rel @p0 .LBB2_7-.Ltmp2, $4  }
0x1df: {  	s29 =	sadd.s32 $0xFFFFFFFD, s26  }
0x1e0: {  	v10 =	vmov s29  }
0x1e1: {  	v10 =	vand.u32 $0x7C, v10  }
0x1e2: {  	v10 =	vbroadcast v10, $0x0;
	[tilespmem:v14+s18+$0x0] =	vst.idx.msk $0xffff, v13  }
0x1e3: {  	_ =	sdelay $0x3  }
0x1e4: {  	[tilespmem:v12+s18+$0x0] =	vst.idx.msk $0xffff, v11  }
0x1e5: {  	v11 =	vld [tilespmem:s25+$0x10800];
	v37 =	vor.u32 v2, v10  }
0x1e6: {  	v13 =	vld [tilespmem:s25+$0x10810];
	v14 =	vor.u32 v3, v10;
	_ =	sdelay $0x3  }
0x1e7: {  	[tilespmem:v37+s18+$0x0] =	vst.idx.msk $0xffff, v11  }
0x1e8: {  	[tilespmem:v14+s18+$0x0] =	vst.idx.msk $0xffff, v13  }
0x1e9: {  	v38 =	vor.u32 v4, v10;
	v11 =	vld [tilespmem:s25+$0x11800]  }
0x1ea: {  	v39 =	vor.u32 v5, v10;
	v13 =	vld [tilespmem:s25+$0x11810];
	_ =	sdelay $0x3  }
0x1eb: {  	[tilespmem:v38+s18+$0x0] =	vst.idx.msk $0xffff, v11  }
0x1ec: {  	[tilespmem:v39+s18+$0x0] =	vst.idx.msk $0xffff, v13  }
0x1ed: {  	v40 =	vor.u32 v6, v10;
	v11 =	vld [tilespmem:s25+$0x12800]  }
0x1ee: {  	v41 =	vor.u32 v7, v10;
	v13 =	vld [tilespmem:s25+$0x12810];
	_ =	sdelay $0x3  }
0x1ef: {  	[tilespmem:v40+s18+$0x0] =	vst.idx.msk $0xffff, v11  }
0x1f0: {  	[tilespmem:v41+s18+$0x0] =	vst.idx.msk $0xffff, v13  }
0x1f1: {  	v42 =	vor.u32 v8, v10;
	v11 =	vld [tilespmem:s25+$0x13800]  }
0x1f2: {  	v10 =	vor.u32 v9, v10;
	v13 =	vld [tilespmem:s25+$0x13810]  }
0x1f3: {  	s28 =	sadd.s32 $0xFFFFFFFE, s26  }
0x1f4: {  	v43 =	vmov s28  }
0x1f5: {  	v14 =	vand.u32 $0x7D, v43  }
0x1f6: {  	[tilespmem:v42+s18+$0x0] =	vst.idx.msk $0xffff, v11;
	v11 =	vbroadcast v14, $0x0  }
0x1f7: {  	[tilespmem:v10+s18+$0x0] =	vst.idx.msk $0xffff, v13  }
0x1f8: {  	v10 =	vld [tilespmem:s25+$0x10820];
	v44 =	vor.u32 v2, v11  }
0x1f9: {  	v13 =	vld [tilespmem:s25+$0x10830];
	v14 =	vor.u32 v3, v11;
	_ =	sdelay $0x3  }
0x1fa: {  	[tilespmem:v44+s18+$0x0] =	vst.idx.msk $0xffff, v10  }
0x1fb: {  	[tilespmem:v14+s18+$0x0] =	vst.idx.msk $0xffff, v13  }
0x1fc: {  	v45 =	vor.u32 v4, v11;
	v10 =	vld [tilespmem:s25+$0x11820]  }
0x1fd: {  	v46 =	vor.u32 v5, v11;
	v13 =	vld [tilespmem:s25+$0x11830];
	_ =	sdelay $0x3  }
0x1fe: {  	[tilespmem:v45+s18+$0x0] =	vst.idx.msk $0xffff, v10  }
0x1ff: {  	[tilespmem:v46+s18+$0x0] =	vst.idx.msk $0xffff, v13  }
0x200: {  	v47 =	vor.u32 v6, v11;
	v10 =	vld [tilespmem:s25+$0x12820]  }
0x201: {  	v48 =	vor.u32 v7, v11;
	v13 =	vld [tilespmem:s25+$0x12830];
	_ =	sdelay $0x3  }
0x202: {  	[tilespmem:v47+s18+$0x0] =	vst.idx.msk $0xffff, v10  }
0x203: {  	[tilespmem:v48+s18+$0x0] =	vst.idx.msk $0xffff, v13  }
0x204: {  	v49 =	vor.u32 v8, v11;
	v10 =	vld [tilespmem:s25+$0x13820]  }
0x205: {  	v11 =	vor.u32 v9, v11;
	v13 =	vld [tilespmem:s25+$0x13830]  }
0x206: {  	s31 =	sadd.s32 $0xFFFFFFFF, s26  }
0x207: {  	v50 =	vmov s31  }
0x208: {  	v14 =	vand.u32 $0x7E, v50  }
0x209: {  	[tilespmem:v49+s18+$0x0] =	vst.idx.msk $0xffff, v10;
	v10 =	vbroadcast v14, $0x0  }
0x20a: {  	[tilespmem:v11+s18+$0x0] =	vst.idx.msk $0xffff, v13  }
0x20b: {  	v11 =	vld [tilespmem:s25+$0x10840];
	v51 =	vor.u32 v2, v10  }
0x20c: {  	v13 =	vld [tilespmem:s25+$0x10850];
	v14 =	vor.u32 v3, v10;
	_ =	sdelay $0x3  }
0x20d: {  	[tilespmem:v51+s18+$0x0] =	vst.idx.msk $0xffff, v11  }
0x20e: {  	[tilespmem:v14+s18+$0x0] =	vst.idx.msk $0xffff, v13  }
0x20f: {  	v52 =	vor.u32 v4, v10;
	v11 =	vld [tilespmem:s25+$0x11840]  }
0x210: {  	v53 =	vor.u32 v5, v10;
	v13 =	vld [tilespmem:s25+$0x11850];
	_ =	sdelay $0x3  }
0x211: {  	[tilespmem:v52+s18+$0x0] =	vst.idx.msk $0xffff, v11  }
0x212: {  	[tilespmem:v53+s18+$0x0] =	vst.idx.msk $0xffff, v13  }
0x213: {  	v54 =	vor.u32 v6, v10;
	v11 =	vld [tilespmem:s25+$0x12840]  }
0x214: {  	v55 =	vor.u32 v7, v10;
	v13 =	vld [tilespmem:s25+$0x12850];
	_ =	sdelay $0x3  }
0x215: {  	[tilespmem:v54+s18+$0x0] =	vst.idx.msk $0xffff, v11  }
0x216: {  	[tilespmem:v55+s18+$0x0] =	vst.idx.msk $0xffff, v13  }
0x217: {  	v56 =	vor.u32 v8, v10;
	v11 =	vld [tilespmem:s25+$0x13840]  }
0x218: {  	v10 =	vor.u32 v9, v10;
	v13 =	vld [tilespmem:s25+$0x13850];
	_ =	sdelay $0x1  }
0x219: {  	v57 =	vmov s26  }
0x21a: {  	v14 =	vand.u32 $0x7F, v57  }
0x21b: {  	[tilespmem:v56+s18+$0x0] =	vst.idx.msk $0xffff, v11;
	v11 =	vbroadcast v14, $0x0  }
0x21c: {  	[tilespmem:v10+s18+$0x0] =	vst.idx.msk $0xffff, v13  }
0x21d: {  	v10 =	vld [tilespmem:s25+$0x10860];
	v58 =	vor.u32 v2, v11  }
0x21e: {  	v13 =	vld [tilespmem:s25+$0x10870];
	v14 =	vor.u32 v3, v11;
	_ =	sdelay $0x3  }
0x21f: {  	[tilespmem:v58+s18+$0x0] =	vst.idx.msk $0xffff, v10  }
0x220: {  	[tilespmem:v14+s18+$0x0] =	vst.idx.msk $0xffff, v13  }
0x221: {  	v59 =	vor.u32 v4, v11;
	v10 =	vld [tilespmem:s25+$0x11860]  }
0x222: {  	v60 =	vor.u32 v5, v11;
	v13 =	vld [tilespmem:s25+$0x11870];
	_ =	sdelay $0x3  }
0x223: {  	[tilespmem:v59+s18+$0x0] =	vst.idx.msk $0xffff, v10  }
0x224: {  	[tilespmem:v60+s18+$0x0] =	vst.idx.msk $0xffff, v13  }
0x225: {  	v61 =	vor.u32 v6, v11;
	v10 =	vld [tilespmem:s25+$0x12860]  }
0x226: {  	v62 =	vor.u32 v7, v11;
	v13 =	vld [tilespmem:s25+$0x12870];
	_ =	sdelay $0x3  }
0x227: {  	[tilespmem:v61+s18+$0x0] =	vst.idx.msk $0xffff, v10  }
0x228: {  	[tilespmem:v62+s18+$0x0] =	vst.idx.msk $0xffff, v13  }
0x229: {  	v63 =	vor.u32 v8, v11;
	v10 =	vld [tilespmem:s25+$0x13860]  }
0x22a: {  	s23 =	sadd.s32 $0x1, s23;
	v11 =	vor.u32 v9, v11;
	v13 =	vld [tilespmem:s25+$0x13870]  }
0x22b: {  	p0 =	sne.s32 s23, $0x19  }
.Ltmp3:
0x22c: {  	_ = 	snop;
	(pc) =	sbr.rel @p0 .LBB2_4-.Ltmp3, $4  }
0x22d: {  	s24 =	sshll.u32 s24, $0x10  }
0x22e: {  	s24 =	sadd.s32 s2, s24;
	[tilespmem:v63+s18+$0x0] =	vst.idx.msk $0xffff, v10  }
0x22f: {  	s24 =	sadd.s32 s6, s24;
	[tilespmem:v11+s18+$0x0] =	vst.idx.msk $0xffff, v13  }
0x230: {  	[hbm4b:s24+s15] =	stream.strided.scatter [tilespmem:s18], [sflag:$0x4], $0x4000, s16, s15, $0x38;
	[tilespmem:$0x1C800] =	vst v63  }
0x231: {  	s21 =	sadd.s32 $0x1, s21  }
0x232: {  	_ =	swait.ge [sflag:s19], $0x4000;
	p0 =	sne.s32 s21, s7  }
.Ltmp4:
0x233: {  	[sflag:s19] =	ssyncset.done $0x0;
	(pc) =	sbr.rel @p0 .LBB2_1-.Ltmp4, $4  }
0x234: {  	[sflag:s19] =	ssyncadd.s32 $0xFFFFC000  }
0x235: {  	_ =	swait.ge [sflag:s20], $0x4000  }
0x236: {  	[sflag:s20] =	ssyncset.done $0x0  }
0x237: {  	[sflag:s20] =	ssyncadd.s32 $0xFFFFC000  }
0x238: {  	_ =	sfence.sel $0x180000  }
0x239: {  	[bflag:$0x0] =	sbarrier.arrive $0xFFFF  }
0x23a: {  	p0 =	sne.s32 s0, $0x0;
	_ =	strace $0x90000047  }
0x23b: {  	s0 =	sadd.s32 @!p0 $0x100000, s1;
	[bflag:$0x2] =	sbarrier.arrive $0xFFFF  }
0x23c: {  	[sflag:s0] =	ssyncadd.tile.s32 @!p0 $0x1;
	_ =	shalt  }
.Lfunc_end2:
_tile_overlayer_lowered:
.L_overlay_start_2:
0x23d: {  	(tag) =	ssettag $0x2  }
0x23e: {  	s0 =	rddreg [dreg:$0x0];
	s2 =	stileid.u32  }
0x23f: {  	s1 =	rddreg [dreg:$0x1];
	p0 =	sne.s32 s2, $0x0  }
0x240: {  	s3 =	rddreg [dreg:$0x2];
	[bflag:$0x3] =	sbarrier.arrive $0xFFFF;
	s2 =	simm.s32 @!p0 $0x1C05  }
0x241: {  	[timem:s3], [sflag:s2] =	dma.local @!p0 [hbm:s0], s1  }
0x242: {  	s0 =	simm.s32 @!p0 $0x5  }
0x243: {  	_ =	swait.ge @!p0 [sflag:s0], s1  }
0x244: {  	s1 =	ssub.s32 @!p0 $0x0, s1;
	[sflag:s0] =	ssyncset.done @!p0 $0x0  }
0x245: {  	[sflag:s0] =	ssyncadd.s32 @!p0 s1  }
0x246: {  	[bflag:$0x3] =	sbarrier.arrive $0xFFFF  }
0x247: {  	_ =	shalt  }

</sc_bundles>
